<compile_context>
chip_gen: v7x
topology: tpu7x:2x2x1
jax: 0.10.2.dev20260603
libtpu: 0.0.44.dev20260713+nightly
codegen_flags: <defaults>
</compile_context>

<pallas_src>
import functools

import jax
import jax.numpy as jnp
from jax import lax
from jax.experimental import pallas as pl
from jax.experimental.pallas import tpu as pltpu
from jax.experimental.pallas import tpu_sc as plsc

_ALPHA = 0.95
_NC = 2
_NS = 16
_NW = _NC * _NS
_L = 16


def kernel(teacher_logits, true_labels):
    b, c = teacher_logits.shape
    rows_w = b // _NW
    nr = 8
    nfull = c // _L
    rem = c - nfull * _L
    labels = true_labels.astype(jnp.int32)
    mesh = plsc.VectorSubcoreMesh(core_axis_name="c", subcore_axis_name="s")

    @functools.partial(
        pl.kernel,
        out_type=jax.ShapeDtypeStruct((b, c), jnp.float32),
        mesh=mesh,
        compiler_params=pltpu.CompilerParams(needs_layout_passes=False),
        scratch_types=[
            pltpu.VMEM((rows_w + _L,), jnp.int32),
            pltpu.VMEM((nr + 1, c), jnp.float32),
            pltpu.VMEM((nr + 1, c), jnp.float32),
        ],
    )
    def loca_sc(x_hbm, lab_hbm, out_hbm, lab_v, x_v, o_v):
        wid = lax.axis_index("s") * _NC + lax.axis_index("c")
        base = wid * rows_w
        pltpu.sync_copy(lab_hbm.at[pl.ds(base, rows_w)],
                        lab_v.at[pl.ds(0, rows_w)])

        lane = lax.iota(jnp.int32, _L)

        def row_body(r, chunk):
            acc = jnp.zeros((_L,), jnp.float32)
            for j in range(nfull):
                acc = acc + x_v[r, pl.ds(j * _L, _L)]
            if rem:
                tail = x_v[r, pl.ds(c - _L, _L)]
                acc = acc + jnp.where(lane >= _L - rem, tail, 0.0)
            rs = jnp.sum(acc)
            y = lab_v[pl.ds(chunk * nr + r, _L)][0]
            cidx = (y // _L) * _L
            off = y - cidx
            tvec = x_v[r, pl.ds(cidx, _L)]
            t = jnp.sum(jnp.where(lane == off, tvec, 0.0))
            t16 = jnp.full((_L,), t)
            rs16 = jnp.full((_L,), rs)
            s16 = _ALPHA / ((1.0 - 2.0 * t16) + rs16)
            tv16 = (1.0 - s16 * rs16) + s16 * t16
            for j in range(nfull):
                o_v[r, pl.ds(j * _L, _L)] = s16 * x_v[r, pl.ds(j * _L, _L)]
            if rem:
                o_v[r, pl.ds(c - _L, _L)] = s16 * x_v[r, pl.ds(c - _L, _L)]
            cur = o_v[r, pl.ds(cidx, _L)]
            o_v[r, pl.ds(cidx, _L)] = jnp.where(lane == off, tv16, cur)
            return chunk

        def chunk_body(ci, carry):
            row0 = base + ci * nr
            pltpu.sync_copy(x_hbm.at[pl.ds(row0, nr)],
                            x_v.at[pl.ds(0, nr)])
            lax.fori_loop(0, nr, row_body, ci)
            pltpu.sync_copy(o_v.at[pl.ds(0, nr)],
                            out_hbm.at[pl.ds(row0, nr)])
            return carry

        lax.fori_loop(0, rows_w // nr, chunk_body, 0)

    return loca_sc(teacher_logits, labels)

# --- scband reference (transcript-rebuilt; emitter-appended) ---
"""Pipeline reference for scband-loca-901943132312 (READ-ONLY COPY).

The authoritative reference and input builder live on the scoring server;
editing this copy changes nothing except your own understanding.
"""

import jax, jax.numpy as jnp
import numpy as np

ALPHA = 0.95
B = 16384
C = 1000


def setup_inputs(seed: int = 0) -> dict:
    key = jax.random.key(seed)
    k1, k2 = jax.random.split(key)
    teacher_logits = jax.random.normal(k1, (B, C), dtype=jnp.float32)
    true_labels = jax.random.randint(k2, (B,), 0, C, dtype=jnp.int32)
    return {"teacher_logits": teacher_logits, "true_labels": true_labels}


def reference(teacher_logits, true_labels):
    # Vectorized, mathematically faithful translation of the per-row python loops:
    # t = logits[i, y_i]; s_i = alpha / (1 - 2*t + sum_j logits[i, j])
    # out[i, j] = s_i * logits[i, j]               for j != y_i
    # out[i, y_i] = 1 - s_i * sum_j logits[i, j] + s_i * logits[i, y_i]
    true_labels = true_labels.astype(jnp.int32)
    row_sum = jnp.sum(teacher_logits, axis=1)  # [B]
    t = jnp.take_along_axis(teacher_logits, true_labels[:, None], axis=1)[:, 0]  # [B]
    s = ALPHA / (1.0 - 2.0 * t + row_sum)  # [B]
    calibrated = s[:, None] * teacher_logits  # [B, C]
    true_vals = 1.0 - s * row_sum + s * t  # [B]
    rows = jnp.arange(teacher_logits.shape[0], dtype=jnp.int32)
    calibrated = calibrated.at[rows, true_labels].set(true_vals)
    return calibrated

if __name__ == "__main__":
    import jax
    _d = setup_inputs()
    print(jax.jit(kernel)(*tuple(_d.values())))

</pallas_src>

<mosaic_0001>
#map = affine_map<(d0, d1) -> (0, 0)>
#map1 = affine_map<(d0, d1) -> (0)>
module attributes {stable_mosaic.version = 14 : i64} {
  func.func @loca_sc(%arg0: i32, %arg1: i32, %arg2: memref<16384x1000xf32, #tpu.memory_space<hbm>>, %arg3: memref<16384xi32, #tpu.memory_space<hbm>>, %arg4: memref<16384x1000xf32, #tpu.memory_space<hbm>>, %arg5: memref<528xi32, #tpu.memory_space<vmem>>, %arg6: memref<9x1000xf32, #tpu.memory_space<vmem>>, %arg7: memref<9x1000xf32, #tpu.memory_space<vmem>>) attributes {dimension_semantics = [#tpu.dimension_semantics<core_parallel>, #tpu.dimension_semantics<subcore_parallel>], iteration_bounds = array<i64: 2, 16>, scalar_prefetch = 0 : i64, scratch_operands = 3 : i64, tpu.core_type = #tpu.core_type<sc_vector_subcore>, window_params = [{transform_indices = #map}, {transform_indices = #map1}, {transform_indices = #map}]} {
    %mul3A = arith.constant 2 : i32
    %mul3A_0 = arith.muli %arg1, %mul3A : i32
    %add3A = arith.addi %mul3A_0, %arg0 : i32
    %mul3A_1 = arith.constant 512 : i32
    %mul3A_2 = arith.muli %add3A, %mul3A_1 : i32
    "tpu.region"() ({
      %run_scoped3A = tpu.sem_alloc : memref<!tpu.dma_semaphore, #tpu.memory_space<semaphore_mem>>
      %dma_start3A = arith.constant 0 : i32
      %dma_start3A_8 = tpu.memref_slice %arg5[%dma_start3A] : memref<528xi32, #tpu.memory_space<vmem>> -> memref<512xi32, #tpu.memory_space<vmem>>
      %dma_start3A_9 = tpu.memref_slice %arg3[%mul3A_2] : memref<16384xi32, #tpu.memory_space<hbm>> -> memref<512xi32, #tpu.memory_space<hbm>>
      %dma_start3A_10 = arith.constant 0 : i32
      %dma_start3A_11 = tpu.memref_slice %arg5[%dma_start3A_10] : memref<528xi32, #tpu.memory_space<vmem>> -> memref<512xi32, #tpu.memory_space<vmem>>
      %dma_start3A_12 = tpu.memref_slice %arg3[%mul3A_2] : memref<16384xi32, #tpu.memory_space<hbm>> -> memref<512xi32, #tpu.memory_space<hbm>>
      tpu.enqueue_dma source(%dma_start3A_12 : memref<512xi32, #tpu.memory_space<hbm>>) target(%dma_start3A_11 : memref<512xi32, #tpu.memory_space<vmem>>) target_semaphore(%run_scoped3A : memref<!tpu.dma_semaphore, #tpu.memory_space<semaphore_mem>>)
      %dma_wait3A = arith.constant 0 : i32
      %dma_wait3A_13 = tpu.memref_slice %arg5[%dma_wait3A] : memref<528xi32, #tpu.memory_space<vmem>> -> memref<512xi32, #tpu.memory_space<vmem>>
      %dma_wait3A_14 = tpu.memref_slice %arg3[%mul3A_2] : memref<16384xi32, #tpu.memory_space<hbm>> -> memref<512xi32, #tpu.memory_space<hbm>>
      %dma_wait3A_15 = arith.constant 0 : i32
      %dma_wait3A_16 = tpu.memref_slice %arg5[%dma_wait3A_15] : memref<528xi32, #tpu.memory_space<vmem>> -> memref<512xi32, #tpu.memory_space<vmem>>
      %dma_wait3A_17 = tpu.memref_slice %arg3[%mul3A_2] : memref<16384xi32, #tpu.memory_space<hbm>> -> memref<512xi32, #tpu.memory_space<hbm>>
      tpu.wait_dma2 semaphore(%run_scoped3A : memref<!tpu.dma_semaphore, #tpu.memory_space<semaphore_mem>>) src(%dma_wait3A_17 : memref<512xi32, #tpu.memory_space<hbm>>) dst(%dma_wait3A_16 : memref<512xi32, #tpu.memory_space<vmem>>)
      tpu.yield
    }) : () -> ()
    %iota3A = tpu.iota {dimensions = array<i32: 0>} : vector<16xi32>
    %scan3A = arith.constant 0 : i32
    %scan3A_3 = arith.constant 0 : i32
    %scan3A_4 = arith.constant 64 : i32
    %scan3A_5 = arith.addi %scan3A_3, %scan3A_4 : i32
    %scan3A_6 = arith.constant 1 : i32
    scf.for %scan3A_8 = %scan3A_3 to %scan3A_5 step %scan3A_6  : i32 {
      %mul3A_9 = arith.constant 8 : i32
      %mul3A_10 = arith.muli %scan3A_8, %mul3A_9 : i32
      %add3A_11 = arith.addi %mul3A_2, %mul3A_10 : i32
      "tpu.region"() ({
        %run_scoped3A = tpu.sem_alloc : memref<!tpu.dma_semaphore, #tpu.memory_space<semaphore_mem>>
        %dma_start3A = arith.constant 0 : i32
        %dma_start3A_17 = arith.constant 0 : i32
        %dma_start3A_18 = tpu.memref_slice %arg6[%dma_start3A, %dma_start3A_17] : memref<9x1000xf32, #tpu.memory_space<vmem>> -> memref<8x1000xf32, #tpu.memory_space<vmem>>
        %dma_start3A_19 = arith.constant 0 : i32
        %dma_start3A_20 = tpu.memref_slice %arg2[%add3A_11, %dma_start3A_19] : memref<16384x1000xf32, #tpu.memory_space<hbm>> -> memref<8x1000xf32, #tpu.memory_space<hbm>>
        %dma_start3A_21 = arith.constant 0 : i32
        %dma_start3A_22 = arith.constant 0 : i32
        %dma_start3A_23 = tpu.memref_slice %arg6[%dma_start3A_21, %dma_start3A_22] : memref<9x1000xf32, #tpu.memory_space<vmem>> -> memref<8x1000xf32, #tpu.memory_space<vmem>>
        %dma_start3A_24 = arith.constant 0 : i32
        %dma_start3A_25 = tpu.memref_slice %arg2[%add3A_11, %dma_start3A_24] : memref<16384x1000xf32, #tpu.memory_space<hbm>> -> memref<8x1000xf32, #tpu.memory_space<hbm>>
        tpu.enqueue_dma source(%dma_start3A_25 : memref<8x1000xf32, #tpu.memory_space<hbm>>) target(%dma_start3A_23 : memref<8x1000xf32, #tpu.memory_space<vmem>>) target_semaphore(%run_scoped3A : memref<!tpu.dma_semaphore, #tpu.memory_space<semaphore_mem>>)
        %dma_wait3A = arith.constant 0 : i32
        %dma_wait3A_26 = arith.constant 0 : i32
        %dma_wait3A_27 = tpu.memref_slice %arg6[%dma_wait3A, %dma_wait3A_26] : memref<9x1000xf32, #tpu.memory_space<vmem>> -> memref<8x1000xf32, #tpu.memory_space<vmem>>
        %dma_wait3A_28 = arith.constant 0 : i32
        %dma_wait3A_29 = tpu.memref_slice %arg2[%add3A_11, %dma_wait3A_28] : memref<16384x1000xf32, #tpu.memory_space<hbm>> -> memref<8x1000xf32, #tpu.memory_space<hbm>>
        %dma_wait3A_30 = arith.constant 0 : i32
        %dma_wait3A_31 = arith.constant 0 : i32
        %dma_wait3A_32 = tpu.memref_slice %arg6[%dma_wait3A_30, %dma_wait3A_31] : memref<9x1000xf32, #tpu.memory_space<vmem>> -> memref<8x1000xf32, #tpu.memory_space<vmem>>
        %dma_wait3A_33 = arith.constant 0 : i32
        %dma_wait3A_34 = tpu.memref_slice %arg2[%add3A_11, %dma_wait3A_33] : memref<16384x1000xf32, #tpu.memory_space<hbm>> -> memref<8x1000xf32, #tpu.memory_space<hbm>>
        tpu.wait_dma2 semaphore(%run_scoped3A : memref<!tpu.dma_semaphore, #tpu.memory_space<semaphore_mem>>) src(%dma_wait3A_34 : memref<8x1000xf32, #tpu.memory_space<hbm>>) dst(%dma_wait3A_32 : memref<8x1000xf32, #tpu.memory_space<vmem>>)
        tpu.yield
      }) : () -> ()
      %scan3A_12 = arith.constant 0 : i32
      %scan3A_13 = arith.constant 8 : i32
      %scan3A_14 = arith.addi %scan3A_12, %scan3A_13 : i32
      %scan3A_15 = arith.constant 1 : i32
      scf.for %scan3A_17 = %scan3A_12 to %scan3A_14 step %scan3A_15  : i32 {
        %broadcast_in_dim3A = arith.constant 0.000000e+00 : f32
        %broadcast_in_dim3A_18 = vector.broadcast %broadcast_in_dim3A : f32 to vector<16xf32>
        %get3A = arith.index_cast %scan3A_17 : i32 to index
        %get3A_19 = arith.constant 0 : index
        %get3A_20 = tpu.vector_load %arg6[%get3A, %get3A_19] {strides = array<i32>} : memref<9x1000xf32, #tpu.memory_space<vmem>>, vector<16xf32>,
        %add3A_21 = arith.addf %broadcast_in_dim3A_18, %get3A_20 : vector<16xf32>
        %get3A_22 = arith.index_cast %scan3A_17 : i32 to index
        %get3A_23 = arith.constant 16 : index
        %get3A_24 = tpu.vector_load %arg6[%get3A_22, %get3A_23] {strides = array<i32>} : memref<9x1000xf32, #tpu.memory_space<vmem>>, vector<16xf32>,
        %add3A_25 = arith.addf %add3A_21, %get3A_24 : vector<16xf32>
        %get3A_26 = arith.index_cast %scan3A_17 : i32 to index
        %get3A_27 = arith.constant 32 : index
        %get3A_28 = tpu.vector_load %arg6[%get3A_26, %get3A_27] {strides = array<i32>} : memref<9x1000xf32, #tpu.memory_space<vmem>>, vector<16xf32>,
        %add3A_29 = arith.addf %add3A_25, %get3A_28 : vector<16xf32>
        %get3A_30 = arith.index_cast %scan3A_17 : i32 to index
        %get3A_31 = arith.constant 48 : index
        %get3A_32 = tpu.vector_load %arg6[%get3A_30, %get3A_31] {strides = array<i32>} : memref<9x1000xf32, #tpu.memory_space<vmem>>, vector<16xf32>,
        %add3A_33 = arith.addf %add3A_29, %get3A_32 : vector<16xf32>
        %get3A_34 = arith.index_cast %scan3A_17 : i32 to index
        %get3A_35 = arith.constant 64 : index
        %get3A_36 = tpu.vector_load %arg6[%get3A_34, %get3A_35] {strides = array<i32>} : memref<9x1000xf32, #tpu.memory_space<vmem>>, vector<16xf32>,
        %add3A_37 = arith.addf %add3A_33, %get3A_36 : vector<16xf32>
        %get3A_38 = arith.index_cast %scan3A_17 : i32 to index
        %get3A_39 = arith.constant 80 : index
        %get3A_40 = tpu.vector_load %arg6[%get3A_38, %get3A_39] {strides = array<i32>} : memref<9x1000xf32, #tpu.memory_space<vmem>>, vector<16xf32>,
        %add3A_41 = arith.addf %add3A_37, %get3A_40 : vector<16xf32>
        %get3A_42 = arith.index_cast %scan3A_17 : i32 to index
        %get3A_43 = arith.constant 96 : index
        %get3A_44 = tpu.vector_load %arg6[%get3A_42, %get3A_43] {strides = array<i32>} : memref<9x1000xf32, #tpu.memory_space<vmem>>, vector<16xf32>,
        %add3A_45 = arith.addf %add3A_41, %get3A_44 : vector<16xf32>
        %get3A_46 = arith.index_cast %scan3A_17 : i32 to index
        %get3A_47 = arith.constant 112 : index
        %get3A_48 = tpu.vector_load %arg6[%get3A_46, %get3A_47] {strides = array<i32>} : memref<9x1000xf32, #tpu.memory_space<vmem>>, vector<16xf32>,
        %add3A_49 = arith.addf %add3A_45, %get3A_48 : vector<16xf32>
        %get3A_50 = arith.index_cast %scan3A_17 : i32 to index
        %get3A_51 = arith.constant 128 : index
        %get3A_52 = tpu.vector_load %arg6[%get3A_50, %get3A_51] {strides = array<i32>} : memref<9x1000xf32, #tpu.memory_space<vmem>>, vector<16xf32>,
        %add3A_53 = arith.addf %add3A_49, %get3A_52 : vector<16xf32>
        %get3A_54 = arith.index_cast %scan3A_17 : i32 to index
        %get3A_55 = arith.constant 144 : index
        %get3A_56 = tpu.vector_load %arg6[%get3A_54, %get3A_55] {strides = array<i32>} : memref<9x1000xf32, #tpu.memory_space<vmem>>, vector<16xf32>,
        %add3A_57 = arith.addf %add3A_53, %get3A_56 : vector<16xf32>
        %get3A_58 = arith.index_cast %scan3A_17 : i32 to index
        %get3A_59 = arith.constant 160 : index
        %get3A_60 = tpu.vector_load %arg6[%get3A_58, %get3A_59] {strides = array<i32>} : memref<9x1000xf32, #tpu.memory_space<vmem>>, vector<16xf32>,
        %add3A_61 = arith.addf %add3A_57, %get3A_60 : vector<16xf32>
        %get3A_62 = arith.index_cast %scan3A_17 : i32 to index
        %get3A_63 = arith.constant 176 : index
        %get3A_64 = tpu.vector_load %arg6[%get3A_62, %get3A_63] {strides = array<i32>} : memref<9x1000xf32, #tpu.memory_space<vmem>>, vector<16xf32>,
        %add3A_65 = arith.addf %add3A_61, %get3A_64 : vector<16xf32>
        %get3A_66 = arith.index_cast %scan3A_17 : i32 to index
        %get3A_67 = arith.constant 192 : index
        %get3A_68 = tpu.vector_load %arg6[%get3A_66, %get3A_67] {strides = array<i32>} : memref<9x1000xf32, #tpu.memory_space<vmem>>, vector<16xf32>,
        %add3A_69 = arith.addf %add3A_65, %get3A_68 : vector<16xf32>
        %get3A_70 = arith.index_cast %scan3A_17 : i32 to index
        %get3A_71 = arith.constant 208 : index
        %get3A_72 = tpu.vector_load %arg6[%get3A_70, %get3A_71] {strides = array<i32>} : memref<9x1000xf32, #tpu.memory_space<vmem>>, vector<16xf32>,
        %add3A_73 = arith.addf %add3A_69, %get3A_72 : vector<16xf32>
        %get3A_74 = arith.index_cast %scan3A_17 : i32 to index
        %get3A_75 = arith.constant 224 : index
        %get3A_76 = tpu.vector_load %arg6[%get3A_74, %get3A_75] {strides = array<i32>} : memref<9x1000xf32, #tpu.memory_space<vmem>>, vector<16xf32>,
        %add3A_77 = arith.addf %add3A_73, %get3A_76 : vector<16xf32>
        %get3A_78 = arith.index_cast %scan3A_17 : i32 to index
        %get3A_79 = arith.constant 240 : index
        %get3A_80 = tpu.vector_load %arg6[%get3A_78, %get3A_79] {strides = array<i32>} : memref<9x1000xf32, #tpu.memory_space<vmem>>, vector<16xf32>,
        %add3A_81 = arith.addf %add3A_77, %get3A_80 : vector<16xf32>
        %get3A_82 = arith.index_cast %scan3A_17 : i32 to index
        %get3A_83 = arith.constant 256 : index
        %get3A_84 = tpu.vector_load %arg6[%get3A_82, %get3A_83] {strides = array<i32>} : memref<9x1000xf32, #tpu.memory_space<vmem>>, vector<16xf32>,
        %add3A_85 = arith.addf %add3A_81, %get3A_84 : vector<16xf32>
        %get3A_86 = arith.index_cast %scan3A_17 : i32 to index
        %get3A_87 = arith.constant 272 : index
        %get3A_88 = tpu.vector_load %arg6[%get3A_86, %get3A_87] {strides = array<i32>} : memref<9x1000xf32, #tpu.memory_space<vmem>>, vector<16xf32>,
        %add3A_89 = arith.addf %add3A_85, %get3A_88 : vector<16xf32>
        %get3A_90 = arith.index_cast %scan3A_17 : i32 to index
        %get3A_91 = arith.constant 288 : index
        %get3A_92 = tpu.vector_load %arg6[%get3A_90, %get3A_91] {strides = array<i32>} : memref<9x1000xf32, #tpu.memory_space<vmem>>, vector<16xf32>,
        %add3A_93 = arith.addf %add3A_89, %get3A_92 : vector<16xf32>
        %get3A_94 = arith.index_cast %scan3A_17 : i32 to index
        %get3A_95 = arith.constant 304 : index
        %get3A_96 = tpu.vector_load %arg6[%get3A_94, %get3A_95] {strides = array<i32>} : memref<9x1000xf32, #tpu.memory_space<vmem>>, vector<16xf32>,
        %add3A_97 = arith.addf %add3A_93, %get3A_96 : vector<16xf32>
        %get3A_98 = arith.index_cast %scan3A_17 : i32 to index
        %get3A_99 = arith.constant 320 : index
        %get3A_100 = tpu.vector_load %arg6[%get3A_98, %get3A_99] {strides = array<i32>} : memref<9x1000xf32, #tpu.memory_space<vmem>>, vector<16xf32>,
        %add3A_101 = arith.addf %add3A_97, %get3A_100 : vector<16xf32>
        %get3A_102 = arith.index_cast %scan3A_17 : i32 to index
        %get3A_103 = arith.constant 336 : index
        %get3A_104 = tpu.vector_load %arg6[%get3A_102, %get3A_103] {strides = array<i32>} : memref<9x1000xf32, #tpu.memory_space<vmem>>, vector<16xf32>,
        %add3A_105 = arith.addf %add3A_101, %get3A_104 : vector<16xf32>
        %get3A_106 = arith.index_cast %scan3A_17 : i32 to index
        %get3A_107 = arith.constant 352 : index
        %get3A_108 = tpu.vector_load %arg6[%get3A_106, %get3A_107] {strides = array<i32>} : memref<9x1000xf32, #tpu.memory_space<vmem>>, vector<16xf32>,
        %add3A_109 = arith.addf %add3A_105, %get3A_108 : vector<16xf32>
        %get3A_110 = arith.index_cast %scan3A_17 : i32 to index
        %get3A_111 = arith.constant 368 : index
        %get3A_112 = tpu.vector_load %arg6[%get3A_110, %get3A_111] {strides = array<i32>} : memref<9x1000xf32, #tpu.memory_space<vmem>>, vector<16xf32>,
        %add3A_113 = arith.addf %add3A_109, %get3A_112 : vector<16xf32>
        %get3A_114 = arith.index_cast %scan3A_17 : i32 to index
        %get3A_115 = arith.constant 384 : index
        %get3A_116 = tpu.vector_load %arg6[%get3A_114, %get3A_115] {strides = array<i32>} : memref<9x1000xf32, #tpu.memory_space<vmem>>, vector<16xf32>,
        %add3A_117 = arith.addf %add3A_113, %get3A_116 : vector<16xf32>
        %get3A_118 = arith.index_cast %scan3A_17 : i32 to index
        %get3A_119 = arith.constant 400 : index
        %get3A_120 = tpu.vector_load %arg6[%get3A_118, %get3A_119] {strides = array<i32>} : memref<9x1000xf32, #tpu.memory_space<vmem>>, vector<16xf32>,
        %add3A_121 = arith.addf %add3A_117, %get3A_120 : vector<16xf32>
        %get3A_122 = arith.index_cast %scan3A_17 : i32 to index
        %get3A_123 = arith.constant 416 : index
        %get3A_124 = tpu.vector_load %arg6[%get3A_122, %get3A_123] {strides = array<i32>} : memref<9x1000xf32, #tpu.memory_space<vmem>>, vector<16xf32>,
        %add3A_125 = arith.addf %add3A_121, %get3A_124 : vector<16xf32>
        %get3A_126 = arith.index_cast %scan3A_17 : i32 to index
        %get3A_127 = arith.constant 432 : index
        %get3A_128 = tpu.vector_load %arg6[%get3A_126, %get3A_127] {strides = array<i32>} : memref<9x1000xf32, #tpu.memory_space<vmem>>, vector<16xf32>,
        %add3A_129 = arith.addf %add3A_125, %get3A_128 : vector<16xf32>
        %get3A_130 = arith.index_cast %scan3A_17 : i32 to index
        %get3A_131 = arith.constant 448 : index
        %get3A_132 = tpu.vector_load %arg6[%get3A_130, %get3A_131] {strides = array<i32>} : memref<9x1000xf32, #tpu.memory_space<vmem>>, vector<16xf32>,
        %add3A_133 = arith.addf %add3A_129, %get3A_132 : vector<16xf32>
        %get3A_134 = arith.index_cast %scan3A_17 : i32 to index
        %get3A_135 = arith.constant 464 : index
        %get3A_136 = tpu.vector_load %arg6[%get3A_134, %get3A_135] {strides = array<i32>} : memref<9x1000xf32, #tpu.memory_space<vmem>>, vector<16xf32>,
        %add3A_137 = arith.addf %add3A_133, %get3A_136 : vector<16xf32>
        %get3A_138 = arith.index_cast %scan3A_17 : i32 to index
        %get3A_139 = arith.constant 480 : index
        %get3A_140 = tpu.vector_load %arg6[%get3A_138, %get3A_139] {strides = array<i32>} : memref<9x1000xf32, #tpu.memory_space<vmem>>, vector<16xf32>,
        %add3A_141 = arith.addf %add3A_137, %get3A_140 : vector<16xf32>
        %get3A_142 = arith.index_cast %scan3A_17 : i32 to index
        %get3A_143 = arith.constant 496 : index
        %get3A_144 = tpu.vector_load %arg6[%get3A_142, %get3A_143] {strides = array<i32>} : memref<9x1000xf32, #tpu.memory_space<vmem>>, vector<16xf32>,
        %add3A_145 = arith.addf %add3A_141, %get3A_144 : vector<16xf32>
        %get3A_146 = arith.index_cast %scan3A_17 : i32 to index
        %get3A_147 = arith.constant 512 : index
        %get3A_148 = tpu.vector_load %arg6[%get3A_146, %get3A_147] {strides = array<i32>} : memref<9x1000xf32, #tpu.memory_space<vmem>>, vector<16xf32>,
        %add3A_149 = arith.addf %add3A_145, %get3A_148 : vector<16xf32>
        %get3A_150 = arith.index_cast %scan3A_17 : i32 to index
        %get3A_151 = arith.constant 528 : index
        %get3A_152 = tpu.vector_load %arg6[%get3A_150, %get3A_151] {strides = array<i32>} : memref<9x1000xf32, #tpu.memory_space<vmem>>, vector<16xf32>,
        %add3A_153 = arith.addf %add3A_149, %get3A_152 : vector<16xf32>
        %get3A_154 = arith.index_cast %scan3A_17 : i32 to index
        %get3A_155 = arith.constant 544 : index
        %get3A_156 = tpu.vector_load %arg6[%get3A_154, %get3A_155] {strides = array<i32>} : memref<9x1000xf32, #tpu.memory_space<vmem>>, vector<16xf32>,
        %add3A_157 = arith.addf %add3A_153, %get3A_156 : vector<16xf32>
        %get3A_158 = arith.index_cast %scan3A_17 : i32 to index
        %get3A_159 = arith.constant 560 : index
        %get3A_160 = tpu.vector_load %arg6[%get3A_158, %get3A_159] {strides = array<i32>} : memref<9x1000xf32, #tpu.memory_space<vmem>>, vector<16xf32>,
        %add3A_161 = arith.addf %add3A_157, %get3A_160 : vector<16xf32>
        %get3A_162 = arith.index_cast %scan3A_17 : i32 to index
        %get3A_163 = arith.constant 576 : index
        %get3A_164 = tpu.vector_load %arg6[%get3A_162, %get3A_163] {strides = array<i32>} : memref<9x1000xf32, #tpu.memory_space<vmem>>, vector<16xf32>,
        %add3A_165 = arith.addf %add3A_161, %get3A_164 : vector<16xf32>
        %get3A_166 = arith.index_cast %scan3A_17 : i32 to index
        %get3A_167 = arith.constant 592 : index
        %get3A_168 = tpu.vector_load %arg6[%get3A_166, %get3A_167] {strides = array<i32>} : memref<9x1000xf32, #tpu.memory_space<vmem>>, vector<16xf32>,
        %add3A_169 = arith.addf %add3A_165, %get3A_168 : vector<16xf32>
        %get3A_170 = arith.index_cast %scan3A_17 : i32 to index
        %get3A_171 = arith.constant 608 : index
        %get3A_172 = tpu.vector_load %arg6[%get3A_170, %get3A_171] {strides = array<i32>} : memref<9x1000xf32, #tpu.memory_space<vmem>>, vector<16xf32>,
        %add3A_173 = arith.addf %add3A_169, %get3A_172 : vector<16xf32>
        %get3A_174 = arith.index_cast %scan3A_17 : i32 to index
        %get3A_175 = arith.constant 624 : index
        %get3A_176 = tpu.vector_load %arg6[%get3A_174, %get3A_175] {strides = array<i32>} : memref<9x1000xf32, #tpu.memory_space<vmem>>, vector<16xf32>,
        %add3A_177 = arith.addf %add3A_173, %get3A_176 : vector<16xf32>
        %get3A_178 = arith.index_cast %scan3A_17 : i32 to index
        %get3A_179 = arith.constant 640 : index
        %get3A_180 = tpu.vector_load %arg6[%get3A_178, %get3A_179] {strides = array<i32>} : memref<9x1000xf32, #tpu.memory_space<vmem>>, vector<16xf32>,
        %add3A_181 = arith.addf %add3A_177, %get3A_180 : vector<16xf32>
        %get3A_182 = arith.index_cast %scan3A_17 : i32 to index
        %get3A_183 = arith.constant 656 : index
        %get3A_184 = tpu.vector_load %arg6[%get3A_182, %get3A_183] {strides = array<i32>} : memref<9x1000xf32, #tpu.memory_space<vmem>>, vector<16xf32>,
        %add3A_185 = arith.addf %add3A_181, %get3A_184 : vector<16xf32>
        %get3A_186 = arith.index_cast %scan3A_17 : i32 to index
        %get3A_187 = arith.constant 672 : index
        %get3A_188 = tpu.vector_load %arg6[%get3A_186, %get3A_187] {strides = array<i32>} : memref<9x1000xf32, #tpu.memory_space<vmem>>, vector<16xf32>,
        %add3A_189 = arith.addf %add3A_185, %get3A_188 : vector<16xf32>
        %get3A_190 = arith.index_cast %scan3A_17 : i32 to index
        %get3A_191 = arith.constant 688 : index
        %get3A_192 = tpu.vector_load %arg6[%get3A_190, %get3A_191] {strides = array<i32>} : memref<9x1000xf32, #tpu.memory_space<vmem>>, vector<16xf32>,
        %add3A_193 = arith.addf %add3A_189, %get3A_192 : vector<16xf32>
        %get3A_194 = arith.index_cast %scan3A_17 : i32 to index
        %get3A_195 = arith.constant 704 : index
        %get3A_196 = tpu.vector_load %arg6[%get3A_194, %get3A_195] {strides = array<i32>} : memref<9x1000xf32, #tpu.memory_space<vmem>>, vector<16xf32>,
        %add3A_197 = arith.addf %add3A_193, %get3A_196 : vector<16xf32>
        %get3A_198 = arith.index_cast %scan3A_17 : i32 to index
        %get3A_199 = arith.constant 720 : index
        %get3A_200 = tpu.vector_load %arg6[%get3A_198, %get3A_199] {strides = array<i32>} : memref<9x1000xf32, #tpu.memory_space<vmem>>, vector<16xf32>,
        %add3A_201 = arith.addf %add3A_197, %get3A_200 : vector<16xf32>
        %get3A_202 = arith.index_cast %scan3A_17 : i32 to index
        %get3A_203 = arith.constant 736 : index
        %get3A_204 = tpu.vector_load %arg6[%get3A_202, %get3A_203] {strides = array<i32>} : memref<9x1000xf32, #tpu.memory_space<vmem>>, vector<16xf32>,
        %add3A_205 = arith.addf %add3A_201, %get3A_204 : vector<16xf32>
        %get3A_206 = arith.index_cast %scan3A_17 : i32 to index
        %get3A_207 = arith.constant 752 : index
        %get3A_208 = tpu.vector_load %arg6[%get3A_206, %get3A_207] {strides = array<i32>} : memref<9x1000xf32, #tpu.memory_space<vmem>>, vector<16xf32>,
        %add3A_209 = arith.addf %add3A_205, %get3A_208 : vector<16xf32>
        %get3A_210 = arith.index_cast %scan3A_17 : i32 to index
        %get3A_211 = arith.constant 768 : index
        %get3A_212 = tpu.vector_load %arg6[%get3A_210, %get3A_211] {strides = array<i32>} : memref<9x1000xf32, #tpu.memory_space<vmem>>, vector<16xf32>,
        %add3A_213 = arith.addf %add3A_209, %get3A_212 : vector<16xf32>
        %get3A_214 = arith.index_cast %scan3A_17 : i32 to index
        %get3A_215 = arith.constant 784 : index
        %get3A_216 = tpu.vector_load %arg6[%get3A_214, %get3A_215] {strides = array<i32>} : memref<9x1000xf32, #tpu.memory_space<vmem>>, vector<16xf32>,
        %add3A_217 = arith.addf %add3A_213, %get3A_216 : vector<16xf32>
        %get3A_218 = arith.index_cast %scan3A_17 : i32 to index
        %get3A_219 = arith.constant 800 : index
        %get3A_220 = tpu.vector_load %arg6[%get3A_218, %get3A_219] {strides = array<i32>} : memref<9x1000xf32, #tpu.memory_space<vmem>>, vector<16xf32>,
        %add3A_221 = arith.addf %add3A_217, %get3A_220 : vector<16xf32>
        %get3A_222 = arith.index_cast %scan3A_17 : i32 to index
        %get3A_223 = arith.constant 816 : index
        %get3A_224 = tpu.vector_load %arg6[%get3A_222, %get3A_223] {strides = array<i32>} : memref<9x1000xf32, #tpu.memory_space<vmem>>, vector<16xf32>,
        %add3A_225 = arith.addf %add3A_221, %get3A_224 : vector<16xf32>
        %get3A_226 = arith.index_cast %scan3A_17 : i32 to index
        %get3A_227 = arith.constant 832 : index
        %get3A_228 = tpu.vector_load %arg6[%get3A_226, %get3A_227] {strides = array<i32>} : memref<9x1000xf32, #tpu.memory_space<vmem>>, vector<16xf32>,
        %add3A_229 = arith.addf %add3A_225, %get3A_228 : vector<16xf32>
        %get3A_230 = arith.index_cast %scan3A_17 : i32 to index
        %get3A_231 = arith.constant 848 : index
        %get3A_232 = tpu.vector_load %arg6[%get3A_230, %get3A_231] {strides = array<i32>} : memref<9x1000xf32, #tpu.memory_space<vmem>>, vector<16xf32>,
        %add3A_233 = arith.addf %add3A_229, %get3A_232 : vector<16xf32>
        %get3A_234 = arith.index_cast %scan3A_17 : i32 to index
        %get3A_235 = arith.constant 864 : index
        %get3A_236 = tpu.vector_load %arg6[%get3A_234, %get3A_235] {strides = array<i32>} : memref<9x1000xf32, #tpu.memory_space<vmem>>, vector<16xf32>,
        %add3A_237 = arith.addf %add3A_233, %get3A_236 : vector<16xf32>
        %get3A_238 = arith.index_cast %scan3A_17 : i32 to index
        %get3A_239 = arith.constant 880 : index
        %get3A_240 = tpu.vector_load %arg6[%get3A_238, %get3A_239] {strides = array<i32>} : memref<9x1000xf32, #tpu.memory_space<vmem>>, vector<16xf32>,
        %add3A_241 = arith.addf %add3A_237, %get3A_240 : vector<16xf32>
        %get3A_242 = arith.index_cast %scan3A_17 : i32 to index
        %get3A_243 = arith.constant 896 : index
        %get3A_244 = tpu.vector_load %arg6[%get3A_242, %get3A_243] {strides = array<i32>} : memref<9x1000xf32, #tpu.memory_space<vmem>>, vector<16xf32>,
        %add3A_245 = arith.addf %add3A_241, %get3A_244 : vector<16xf32>
        %get3A_246 = arith.index_cast %scan3A_17 : i32 to index
        %get3A_247 = arith.constant 912 : index
        %get3A_248 = tpu.vector_load %arg6[%get3A_246, %get3A_247] {strides = array<i32>} : memref<9x1000xf32, #tpu.memory_space<vmem>>, vector<16xf32>,
        %add3A_249 = arith.addf %add3A_245, %get3A_248 : vector<16xf32>
        %get3A_250 = arith.index_cast %scan3A_17 : i32 to index
        %get3A_251 = arith.constant 928 : index
        %get3A_252 = tpu.vector_load %arg6[%get3A_250, %get3A_251] {strides = array<i32>} : memref<9x1000xf32, #tpu.memory_space<vmem>>, vector<16xf32>,
        %add3A_253 = arith.addf %add3A_249, %get3A_252 : vector<16xf32>
        %get3A_254 = arith.index_cast %scan3A_17 : i32 to index
        %get3A_255 = arith.constant 944 : index
        %get3A_256 = tpu.vector_load %arg6[%get3A_254, %get3A_255] {strides = array<i32>} : memref<9x1000xf32, #tpu.memory_space<vmem>>, vector<16xf32>,
        %add3A_257 = arith.addf %add3A_253, %get3A_256 : vector<16xf32>
        %get3A_258 = arith.index_cast %scan3A_17 : i32 to index
        %get3A_259 = arith.constant 960 : index
        %get3A_260 = tpu.vector_load %arg6[%get3A_258, %get3A_259] {strides = array<i32>} : memref<9x1000xf32, #tpu.memory_space<vmem>>, vector<16xf32>,
        %add3A_261 = arith.addf %add3A_257, %get3A_260 : vector<16xf32>
        %get3A_262 = arith.index_cast %scan3A_17 : i32 to index
        %get3A_263 = arith.constant 976 : index
        %get3A_264 = tpu.vector_load %arg6[%get3A_262, %get3A_263] {strides = array<i32>} : memref<9x1000xf32, #tpu.memory_space<vmem>>, vector<16xf32>,
        %add3A_265 = arith.addf %add3A_261, %get3A_264 : vector<16xf32>
        %get3A_266 = arith.index_cast %scan3A_17 : i32 to index
        %get3A_267 = arith.constant 984 : index
        %get3A_268 = tpu.vector_load %arg6[%get3A_266, %get3A_267] {strides = array<i32>} : memref<9x1000xf32, #tpu.memory_space<vmem>>, vector<16xf32>,
        %ge3A = arith.constant 8 : i32
        %ge3A_269 = vector.broadcast %ge3A : i32 to vector<16xi32>
        %ge3A_270 = arith.cmpi sge, %iota3A, %ge3A_269 : vector<16xi32>
        %jit3A = arith.constant 0.000000e+00 : f32
        %broadcast_in_dim3A_271 = vector.broadcast %jit3A : f32 to vector<16xf32>
        %select_n3A = arith.select %ge3A_270, %get3A_268, %broadcast_in_dim3A_271 : vector<16xi1>, vector<16xf32>
        %add3A_272 = arith.addf %add3A_265, %select_n3A : vector<16xf32>
        %reduce_sum3A = arith.constant true
        %reduce_sum3A_273 = vector.broadcast %reduce_sum3A : i1 to vector<16xi1>
        %reduce_sum3A_274 = tpu.scan <sum>, %add3A_272 masked %reduce_sum3A_273 : vector<16xf32>, vector<16xi1> -> vector<16xf32>
        %reduce_sum3A_275 = vector.extract %reduce_sum3A_274[15] : f32 from vector<16xf32>
        %mul3A_276 = arith.constant 8 : i32
        %mul3A_277 = arith.muli %scan3A_8, %mul3A_276 : i32
        %add3A_278 = arith.addi %mul3A_277, %scan3A_17 : i32
        %get3A_279 = arith.index_cast %add3A_278 : i32 to index
        %get3A_280 = tpu.vector_load %arg5[%get3A_279] {strides = array<i32>} : memref<528xi32, #tpu.memory_space<vmem>>, vector<16xi32>,
        %slice3A = vector.extract_strided_slice %get3A_280 {offsets = [0], sizes = [1], strides = [1]} : vector<16xi32> to vector<1xi32>
        %squeeze3A = vector.extract %slice3A[0] : i32 from vector<1xi32>
        %jit3A_281 = arith.constant 16 : i32
        %div3A = arith.divsi %squeeze3A, %jit3A_281 : i32
        %sign3A = arith.constant 0 : i32
        %sign3A_282 = arith.cmpi sgt, %squeeze3A, %sign3A : i32
        %sign3A_283 = arith.extui %sign3A_282 : i1 to i32
        %sign3A_284 = arith.constant 0 : i32
        %sign3A_285 = arith.cmpi slt, %squeeze3A, %sign3A_284 : i32
        %sign3A_286 = arith.extui %sign3A_285 : i1 to i32
        %sign3A_287 = arith.subi %sign3A_283, %sign3A_286 : i32
        %sign3A_288 = arith.constant 0 : i32
        %sign3A_289 = arith.cmpi sgt, %jit3A_281, %sign3A_288 : i32
        %sign3A_290 = arith.extui %sign3A_289 : i1 to i32
        %sign3A_291 = arith.constant 0 : i32
        %sign3A_292 = arith.cmpi slt, %jit3A_281, %sign3A_291 : i32
        %sign3A_293 = arith.extui %sign3A_292 : i1 to i32
        %sign3A_294 = arith.subi %sign3A_290, %sign3A_293 : i32
        %ne3A = arith.cmpi ne, %sign3A_287, %sign3A_294 : i32
        %rem3A = arith.remsi %squeeze3A, %jit3A_281 : i32
        %ne3A_295 = arith.constant 0 : i32
        %ne3A_296 = arith.cmpi ne, %rem3A, %ne3A_295 : i32
        %and3A = arith.andi %ne3A, %ne3A_296 : i1
        %sub3A = arith.constant 1 : i32
        %sub3A_297 = arith.subi %div3A, %sub3A : i32
        %select_n3A_298 = arith.select %and3A, %sub3A_297, %div3A : i32
        %mul3A_299 = arith.constant 16 : i32
        %mul3A_300 = arith.muli %select_n3A_298, %mul3A_299 : i32
        %sub3A_301 = arith.subi %squeeze3A, %mul3A_300 : i32
        %get3A_302 = arith.index_cast %scan3A_17 : i32 to index
        %get3A_303 = arith.index_cast %mul3A_300 : i32 to index
        %get3A_304 = tpu.vector_load %arg6[%get3A_302, %get3A_303] {strides = array<i32>} : memref<9x1000xf32, #tpu.memory_space<vmem>>, vector<16xf32>,
        %eq3A = vector.broadcast %sub3A_301 : i32 to vector<16xi32>
        %eq3A_305 = arith.cmpi eq, %iota3A, %eq3A : vector<16xi32>
        %jit3A_306 = arith.constant 0.000000e+00 : f32
        %broadcast_in_dim3A_307 = vector.broadcast %jit3A_306 : f32 to vector<16xf32>
        %select_n3A_308 = arith.select %eq3A_305, %get3A_304, %broadcast_in_dim3A_307 : vector<16xi1>, vector<16xf32>
        %reduce_sum3A_309 = arith.constant true
        %reduce_sum3A_310 = vector.broadcast %reduce_sum3A_309 : i1 to vector<16xi1>
        %reduce_sum3A_311 = tpu.scan <sum>, %select_n3A_308 masked %reduce_sum3A_310 : vector<16xf32>, vector<16xi1> -> vector<16xf32>
        %reduce_sum3A_312 = vector.extract %reduce_sum3A_311[15] : f32 from vector<16xf32>
        %broadcast_in_dim3A_313 = vector.broadcast %reduce_sum3A_312 : f32 to vector<16xf32>
        %broadcast_in_dim3A_314 = vector.broadcast %reduce_sum3A_275 : f32 to vector<16xf32>
        %mul3A_315 = arith.constant 2.000000e+00 : f32
        %mul3A_316 = vector.broadcast %mul3A_315 : f32 to vector<16xf32>
        %mul3A_317 = arith.mulf %mul3A_316, %broadcast_in_dim3A_313 : vector<16xf32>
        %sub3A_318 = arith.constant 1.000000e+00 : f32
        %sub3A_319 = vector.broadcast %sub3A_318 : f32 to vector<16xf32>
        %sub3A_320 = arith.subf %sub3A_319, %mul3A_317 : vector<16xf32>
        %add3A_321 = arith.addf %sub3A_320, %broadcast_in_dim3A_314 : vector<16xf32>
        %div3A_322 = arith.constant 0.949999988 : f32
        %div3A_323 = vector.broadcast %div3A_322 : f32 to vector<16xf32>
        %div3A_324 = arith.divf %div3A_323, %add3A_321 : vector<16xf32>
        %mul3A_325 = arith.mulf %div3A_324, %broadcast_in_dim3A_314 : vector<16xf32>
        %sub3A_326 = arith.constant 1.000000e+00 : f32
        %sub3A_327 = vector.broadcast %sub3A_326 : f32 to vector<16xf32>
        %sub3A_328 = arith.subf %sub3A_327, %mul3A_325 : vector<16xf32>
        %mul3A_329 = arith.mulf %div3A_324, %broadcast_in_dim3A_313 : vector<16xf32>
        %add3A_330 = arith.addf %sub3A_328, %mul3A_329 : vector<16xf32>
        %get3A_331 = arith.index_cast %scan3A_17 : i32 to index
        %get3A_332 = arith.constant 0 : index
        %get3A_333 = tpu.vector_load %arg6[%get3A_331, %get3A_332] {strides = array<i32>} : memref<9x1000xf32, #tpu.memory_space<vmem>>, vector<16xf32>,
        %mul3A_334 = arith.mulf %div3A_324, %get3A_333 : vector<16xf32>
        %swap3A = arith.index_cast %scan3A_17 : i32 to index
        %swap3A_335 = arith.constant 0 : index
        %swap3A_336 = tpu.vector_load %arg7[%swap3A, %swap3A_335] {strides = array<i32>} : memref<9x1000xf32, #tpu.memory_space<vmem>>, vector<16xf32>,
        tpu.vector_store %arg7[%swap3A, %swap3A_335], %mul3A_334 {strides = array<i32>} : memref<9x1000xf32, #tpu.memory_space<vmem>>, vector<16xf32>,
        %get3A_337 = arith.index_cast %scan3A_17 : i32 to index
        %get3A_338 = arith.constant 16 : index
        %get3A_339 = tpu.vector_load %arg6[%get3A_337, %get3A_338] {strides = array<i32>} : memref<9x1000xf32, #tpu.memory_space<vmem>>, vector<16xf32>,
        %mul3A_340 = arith.mulf %div3A_324, %get3A_339 : vector<16xf32>
        %swap3A_341 = arith.index_cast %scan3A_17 : i32 to index
        %swap3A_342 = arith.constant 16 : index
        %swap3A_343 = tpu.vector_load %arg7[%swap3A_341, %swap3A_342] {strides = array<i32>} : memref<9x1000xf32, #tpu.memory_space<vmem>>, vector<16xf32>,
        tpu.vector_store %arg7[%swap3A_341, %swap3A_342], %mul3A_340 {strides = array<i32>} : memref<9x1000xf32, #tpu.memory_space<vmem>>, vector<16xf32>,
        %get3A_344 = arith.index_cast %scan3A_17 : i32 to index
        %get3A_345 = arith.constant 32 : index
        %get3A_346 = tpu.vector_load %arg6[%get3A_344, %get3A_345] {strides = array<i32>} : memref<9x1000xf32, #tpu.memory_space<vmem>>, vector<16xf32>,
        %mul3A_347 = arith.mulf %div3A_324, %get3A_346 : vector<16xf32>
        %swap3A_348 = arith.index_cast %scan3A_17 : i32 to index
        %swap3A_349 = arith.constant 32 : index
        %swap3A_350 = tpu.vector_load %arg7[%swap3A_348, %swap3A_349] {strides = array<i32>} : memref<9x1000xf32, #tpu.memory_space<vmem>>, vector<16xf32>,
        tpu.vector_store %arg7[%swap3A_348, %swap3A_349], %mul3A_347 {strides = array<i32>} : memref<9x1000xf32, #tpu.memory_space<vmem>>, vector<16xf32>,
        %get3A_351 = arith.index_cast %scan3A_17 : i32 to index
        %get3A_352 = arith.constant 48 : index
        %get3A_353 = tpu.vector_load %arg6[%get3A_351, %get3A_352] {strides = array<i32>} : memref<9x1000xf32, #tpu.memory_space<vmem>>, vector<16xf32>,
        %mul3A_354 = arith.mulf %div3A_324, %get3A_353 : vector<16xf32>
        %swap3A_355 = arith.index_cast %scan3A_17 : i32 to index
        %swap3A_356 = arith.constant 48 : index
        %swap3A_357 = tpu.vector_load %arg7[%swap3A_355, %swap3A_356] {strides = array<i32>} : memref<9x1000xf32, #tpu.memory_space<vmem>>, vector<16xf32>,
        tpu.vector_store %arg7[%swap3A_355, %swap3A_356], %mul3A_354 {strides = array<i32>} : memref<9x1000xf32, #tpu.memory_space<vmem>>, vector<16xf32>,
        %get3A_358 = arith.index_cast %scan3A_17 : i32 to index
        %get3A_359 = arith.constant 64 : index
        %get3A_360 = tpu.vector_load %arg6[%get3A_358, %get3A_359] {strides = array<i32>} : memref<9x1000xf32, #tpu.memory_space<vmem>>, vector<16xf32>,
        %mul3A_361 = arith.mulf %div3A_324, %get3A_360 : vector<16xf32>
        %swap3A_362 = arith.index_cast %scan3A_17 : i32 to index
        %swap3A_363 = arith.constant 64 : index
        %swap3A_364 = tpu.vector_load %arg7[%swap3A_362, %swap3A_363] {strides = array<i32>} : memref<9x1000xf32, #tpu.memory_space<vmem>>, vector<16xf32>,
        tpu.vector_store %arg7[%swap3A_362, %swap3A_363], %mul3A_361 {strides = array<i32>} : memref<9x1000xf32, #tpu.memory_space<vmem>>, vector<16xf32>,
        %get3A_365 = arith.index_cast %scan3A_17 : i32 to index
        %get3A_366 = arith.constant 80 : index
        %get3A_367 = tpu.vector_load %arg6[%get3A_365, %get3A_366] {strides = array<i32>} : memref<9x1000xf32, #tpu.memory_space<vmem>>, vector<16xf32>,
        %mul3A_368 = arith.mulf %div3A_324, %get3A_367 : vector<16xf32>
        %swap3A_369 = arith.index_cast %scan3A_17 : i32 to index
        %swap3A_370 = arith.constant 80 : index
        %swap3A_371 = tpu.vector_load %arg7[%swap3A_369, %swap3A_370] {strides = array<i32>} : memref<9x1000xf32, #tpu.memory_space<vmem>>, vector<16xf32>,
        tpu.vector_store %arg7[%swap3A_369, %swap3A_370], %mul3A_368 {strides = array<i32>} : memref<9x1000xf32, #tpu.memory_space<vmem>>, vector<16xf32>,
        %get3A_372 = arith.index_cast %scan3A_17 : i32 to index
        %get3A_373 = arith.constant 96 : index
        %get3A_374 = tpu.vector_load %arg6[%get3A_372, %get3A_373] {strides = array<i32>} : memref<9x1000xf32, #tpu.memory_space<vmem>>, vector<16xf32>,
        %mul3A_375 = arith.mulf %div3A_324, %get3A_374 : vector<16xf32>
        %swap3A_376 = arith.index_cast %scan3A_17 : i32 to index
        %swap3A_377 = arith.constant 96 : index
        %swap3A_378 = tpu.vector_load %arg7[%swap3A_376, %swap3A_377] {strides = array<i32>} : memref<9x1000xf32, #tpu.memory_space<vmem>>, vector<16xf32>,
        tpu.vector_store %arg7[%swap3A_376, %swap3A_377], %mul3A_375 {strides = array<i32>} : memref<9x1000xf32, #tpu.memory_space<vmem>>, vector<16xf32>,
        %get3A_379 = arith.index_cast %scan3A_17 : i32 to index
        %get3A_380 = arith.constant 112 : index
        %get3A_381 = tpu.vector_load %arg6[%get3A_379, %get3A_380] {strides = array<i32>} : memref<9x1000xf32, #tpu.memory_space<vmem>>, vector<16xf32>,
        %mul3A_382 = arith.mulf %div3A_324, %get3A_381 : vector<16xf32>
        %swap3A_383 = arith.index_cast %scan3A_17 : i32 to index
        %swap3A_384 = arith.constant 112 : index
        %swap3A_385 = tpu.vector_load %arg7[%swap3A_383, %swap3A_384] {strides = array<i32>} : memref<9x1000xf32, #tpu.memory_space<vmem>>, vector<16xf32>,
        tpu.vector_store %arg7[%swap3A_383, %swap3A_384], %mul3A_382 {strides = array<i32>} : memref<9x1000xf32, #tpu.memory_space<vmem>>, vector<16xf32>,
        %get3A_386 = arith.index_cast %scan3A_17 : i32 to index
        %get3A_387 = arith.constant 128 : index
        %get3A_388 = tpu.vector_load %arg6[%get3A_386, %get3A_387] {strides = array<i32>} : memref<9x1000xf32, #tpu.memory_space<vmem>>, vector<16xf32>,
        %mul3A_389 = arith.mulf %div3A_324, %get3A_388 : vector<16xf32>
        %swap3A_390 = arith.index_cast %scan3A_17 : i32 to index
        %swap3A_391 = arith.constant 128 : index
        %swap3A_392 = tpu.vector_load %arg7[%swap3A_390, %swap3A_391] {strides = array<i32>} : memref<9x1000xf32, #tpu.memory_space<vmem>>, vector<16xf32>,
        tpu.vector_store %arg7[%swap3A_390, %swap3A_391], %mul3A_389 {strides = array<i32>} : memref<9x1000xf32, #tpu.memory_space<vmem>>, vector<16xf32>,
        %get3A_393 = arith.index_cast %scan3A_17 : i32 to index
        %get3A_394 = arith.constant 144 : index
        %get3A_395 = tpu.vector_load %arg6[%get3A_393, %get3A_394] {strides = array<i32>} : memref<9x1000xf32, #tpu.memory_space<vmem>>, vector<16xf32>,
        %mul3A_396 = arith.mulf %div3A_324, %get3A_395 : vector<16xf32>
        %swap3A_397 = arith.index_cast %scan3A_17 : i32 to index
        %swap3A_398 = arith.constant 144 : index
        %swap3A_399 = tpu.vector_load %arg7[%swap3A_397, %swap3A_398] {strides = array<i32>} : memref<9x1000xf32, #tpu.memory_space<vmem>>, vector<16xf32>,
        tpu.vector_store %arg7[%swap3A_397, %swap3A_398], %mul3A_396 {strides = array<i32>} : memref<9x1000xf32, #tpu.memory_space<vmem>>, vector<16xf32>,
        %get3A_400 = arith.index_cast %scan3A_17 : i32 to index
        %get3A_401 = arith.constant 160 : index
        %get3A_402 = tpu.vector_load %arg6[%get3A_400, %get3A_401] {strides = array<i32>} : memref<9x1000xf32, #tpu.memory_space<vmem>>, vector<16xf32>,
        %mul3A_403 = arith.mulf %div3A_324, %get3A_402 : vector<16xf32>
        %swap3A_404 = arith.index_cast %scan3A_17 : i32 to index
        %swap3A_405 = arith.constant 160 : index
        %swap3A_406 = tpu.vector_load %arg7[%swap3A_404, %swap3A_405] {strides = array<i32>} : memref<9x1000xf32, #tpu.memory_space<vmem>>, vector<16xf32>,
        tpu.vector_store %arg7[%swap3A_404, %swap3A_405], %mul3A_403 {strides = array<i32>} : memref<9x1000xf32, #tpu.memory_space<vmem>>, vector<16xf32>,
        %get3A_407 = arith.index_cast %scan3A_17 : i32 to index
        %get3A_408 = arith.constant 176 : index
        %get3A_409 = tpu.vector_load %arg6[%get3A_407, %get3A_408] {strides = array<i32>} : memref<9x1000xf32, #tpu.memory_space<vmem>>, vector<16xf32>,
        %mul3A_410 = arith.mulf %div3A_324, %get3A_409 : vector<16xf32>
        %swap3A_411 = arith.index_cast %scan3A_17 : i32 to index
        %swap3A_412 = arith.constant 176 : index
        %swap3A_413 = tpu.vector_load %arg7[%swap3A_411, %swap3A_412] {strides = array<i32>} : memref<9x1000xf32, #tpu.memory_space<vmem>>, vector<16xf32>,
        tpu.vector_store %arg7[%swap3A_411, %swap3A_412], %mul3A_410 {strides = array<i32>} : memref<9x1000xf32, #tpu.memory_space<vmem>>, vector<16xf32>,
        %get3A_414 = arith.index_cast %scan3A_17 : i32 to index
        %get3A_415 = arith.constant 192 : index
        %get3A_416 = tpu.vector_load %arg6[%get3A_414, %get3A_415] {strides = array<i32>} : memref<9x1000xf32, #tpu.memory_space<vmem>>, vector<16xf32>,
        %mul3A_417 = arith.mulf %div3A_324, %get3A_416 : vector<16xf32>
        %swap3A_418 = arith.index_cast %scan3A_17 : i32 to index
        %swap3A_419 = arith.constant 192 : index
        %swap3A_420 = tpu.vector_load %arg7[%swap3A_418, %swap3A_419] {strides = array<i32>} : memref<9x1000xf32, #tpu.memory_space<vmem>>, vector<16xf32>,
        tpu.vector_store %arg7[%swap3A_418, %swap3A_419], %mul3A_417 {strides = array<i32>} : memref<9x1000xf32, #tpu.memory_space<vmem>>, vector<16xf32>,
        %get3A_421 = arith.index_cast %scan3A_17 : i32 to index
        %get3A_422 = arith.constant 208 : index
        %get3A_423 = tpu.vector_load %arg6[%get3A_421, %get3A_422] {strides = array<i32>} : memref<9x1000xf32, #tpu.memory_space<vmem>>, vector<16xf32>,
        %mul3A_424 = arith.mulf %div3A_324, %get3A_423 : vector<16xf32>
        %swap3A_425 = arith.index_cast %scan3A_17 : i32 to index
        %swap3A_426 = arith.constant 208 : index
        %swap3A_427 = tpu.vector_load %arg7[%swap3A_425, %swap3A_426] {strides = array<i32>} : memref<9x1000xf32, #tpu.memory_space<vmem>>, vector<16xf32>,
        tpu.vector_store %arg7[%swap3A_425, %swap3A_426], %mul3A_424 {strides = array<i32>} : memref<9x1000xf32, #tpu.memory_space<vmem>>, vector<16xf32>,
        %get3A_428 = arith.index_cast %scan3A_17 : i32 to index
        %get3A_429 = arith.constant 224 : index
        %get3A_430 = tpu.vector_load %arg6[%get3A_428, %get3A_429] {strides = array<i32>} : memref<9x1000xf32, #tpu.memory_space<vmem>>, vector<16xf32>,
        %mul3A_431 = arith.mulf %div3A_324, %get3A_430 : vector<16xf32>
        %swap3A_432 = arith.index_cast %scan3A_17 : i32 to index
        %swap3A_433 = arith.constant 224 : index
        %swap3A_434 = tpu.vector_load %arg7[%swap3A_432, %swap3A_433] {strides = array<i32>} : memref<9x1000xf32, #tpu.memory_space<vmem>>, vector<16xf32>,
        tpu.vector_store %arg7[%swap3A_432, %swap3A_433], %mul3A_431 {strides = array<i32>} : memref<9x1000xf32, #tpu.memory_space<vmem>>, vector<16xf32>,
        %get3A_435 = arith.index_cast %scan3A_17 : i32 to index
        %get3A_436 = arith.constant 240 : index
        %get3A_437 = tpu.vector_load %arg6[%get3A_435, %get3A_436] {strides = array<i32>} : memref<9x1000xf32, #tpu.memory_space<vmem>>, vector<16xf32>,
        %mul3A_438 = arith.mulf %div3A_324, %get3A_437 : vector<16xf32>
        %swap3A_439 = arith.index_cast %scan3A_17 : i32 to index
        %swap3A_440 = arith.constant 240 : index
        %swap3A_441 = tpu.vector_load %arg7[%swap3A_439, %swap3A_440] {strides = array<i32>} : memref<9x1000xf32, #tpu.memory_space<vmem>>, vector<16xf32>,
        tpu.vector_store %arg7[%swap3A_439, %swap3A_440], %mul3A_438 {strides = array<i32>} : memref<9x1000xf32, #tpu.memory_space<vmem>>, vector<16xf32>,
        %get3A_442 = arith.index_cast %scan3A_17 : i32 to index
        %get3A_443 = arith.constant 256 : index
        %get3A_444 = tpu.vector_load %arg6[%get3A_442, %get3A_443] {strides = array<i32>} : memref<9x1000xf32, #tpu.memory_space<vmem>>, vector<16xf32>,
        %mul3A_445 = arith.mulf %div3A_324, %get3A_444 : vector<16xf32>
        %swap3A_446 = arith.index_cast %scan3A_17 : i32 to index
        %swap3A_447 = arith.constant 256 : index
        %swap3A_448 = tpu.vector_load %arg7[%swap3A_446, %swap3A_447] {strides = array<i32>} : memref<9x1000xf32, #tpu.memory_space<vmem>>, vector<16xf32>,
        tpu.vector_store %arg7[%swap3A_446, %swap3A_447], %mul3A_445 {strides = array<i32>} : memref<9x1000xf32, #tpu.memory_space<vmem>>, vector<16xf32>,
        %get3A_449 = arith.index_cast %scan3A_17 : i32 to index
        %get3A_450 = arith.constant 272 : index
        %get3A_451 = tpu.vector_load %arg6[%get3A_449, %get3A_450] {strides = array<i32>} : memref<9x1000xf32, #tpu.memory_space<vmem>>, vector<16xf32>,
        %mul3A_452 = arith.mulf %div3A_324, %get3A_451 : vector<16xf32>
        %swap3A_453 = arith.index_cast %scan3A_17 : i32 to index
        %swap3A_454 = arith.constant 272 : index
        %swap3A_455 = tpu.vector_load %arg7[%swap3A_453, %swap3A_454] {strides = array<i32>} : memref<9x1000xf32, #tpu.memory_space<vmem>>, vector<16xf32>,
        tpu.vector_store %arg7[%swap3A_453, %swap3A_454], %mul3A_452 {strides = array<i32>} : memref<9x1000xf32, #tpu.memory_space<vmem>>, vector<16xf32>,
        %get3A_456 = arith.index_cast %scan3A_17 : i32 to index
        %get3A_457 = arith.constant 288 : index
        %get3A_458 = tpu.vector_load %arg6[%get3A_456, %get3A_457] {strides = array<i32>} : memref<9x1000xf32, #tpu.memory_space<vmem>>, vector<16xf32>,
        %mul3A_459 = arith.mulf %div3A_324, %get3A_458 : vector<16xf32>
        %swap3A_460 = arith.index_cast %scan3A_17 : i32 to index
        %swap3A_461 = arith.constant 288 : index
        %swap3A_462 = tpu.vector_load %arg7[%swap3A_460, %swap3A_461] {strides = array<i32>} : memref<9x1000xf32, #tpu.memory_space<vmem>>, vector<16xf32>,
        tpu.vector_store %arg7[%swap3A_460, %swap3A_461], %mul3A_459 {strides = array<i32>} : memref<9x1000xf32, #tpu.memory_space<vmem>>, vector<16xf32>,
        %get3A_463 = arith.index_cast %scan3A_17 : i32 to index
        %get3A_464 = arith.constant 304 : index
        %get3A_465 = tpu.vector_load %arg6[%get3A_463, %get3A_464] {strides = array<i32>} : memref<9x1000xf32, #tpu.memory_space<vmem>>, vector<16xf32>,
        %mul3A_466 = arith.mulf %div3A_324, %get3A_465 : vector<16xf32>
        %swap3A_467 = arith.index_cast %scan3A_17 : i32 to index
        %swap3A_468 = arith.constant 304 : index
        %swap3A_469 = tpu.vector_load %arg7[%swap3A_467, %swap3A_468] {strides = array<i32>} : memref<9x1000xf32, #tpu.memory_space<vmem>>, vector<16xf32>,
        tpu.vector_store %arg7[%swap3A_467, %swap3A_468], %mul3A_466 {strides = array<i32>} : memref<9x1000xf32, #tpu.memory_space<vmem>>, vector<16xf32>,
        %get3A_470 = arith.index_cast %scan3A_17 : i32 to index
        %get3A_471 = arith.constant 320 : index
        %get3A_472 = tpu.vector_load %arg6[%get3A_470, %get3A_471] {strides = array<i32>} : memref<9x1000xf32, #tpu.memory_space<vmem>>, vector<16xf32>,
        %mul3A_473 = arith.mulf %div3A_324, %get3A_472 : vector<16xf32>
        %swap3A_474 = arith.index_cast %scan3A_17 : i32 to index
        %swap3A_475 = arith.constant 320 : index
        %swap3A_476 = tpu.vector_load %arg7[%swap3A_474, %swap3A_475] {strides = array<i32>} : memref<9x1000xf32, #tpu.memory_space<vmem>>, vector<16xf32>,
        tpu.vector_store %arg7[%swap3A_474, %swap3A_475], %mul3A_473 {strides = array<i32>} : memref<9x1000xf32, #tpu.memory_space<vmem>>, vector<16xf32>,
        %get3A_477 = arith.index_cast %scan3A_17 : i32 to index
        %get3A_478 = arith.constant 336 : index
        %get3A_479 = tpu.vector_load %arg6[%get3A_477, %get3A_478] {strides = array<i32>} : memref<9x1000xf32, #tpu.memory_space<vmem>>, vector<16xf32>,
        %mul3A_480 = arith.mulf %div3A_324, %get3A_479 : vector<16xf32>
        %swap3A_481 = arith.index_cast %scan3A_17 : i32 to index
        %swap3A_482 = arith.constant 336 : index
        %swap3A_483 = tpu.vector_load %arg7[%swap3A_481, %swap3A_482] {strides = array<i32>} : memref<9x1000xf32, #tpu.memory_space<vmem>>, vector<16xf32>,
        tpu.vector_store %arg7[%swap3A_481, %swap3A_482], %mul3A_480 {strides = array<i32>} : memref<9x1000xf32, #tpu.memory_space<vmem>>, vector<16xf32>,
        %get3A_484 = arith.index_cast %scan3A_17 : i32 to index
        %get3A_485 = arith.constant 352 : index
        %get3A_486 = tpu.vector_load %arg6[%get3A_484, %get3A_485] {strides = array<i32>} : memref<9x1000xf32, #tpu.memory_space<vmem>>, vector<16xf32>,
        %mul3A_487 = arith.mulf %div3A_324, %get3A_486 : vector<16xf32>
        %swap3A_488 = arith.index_cast %scan3A_17 : i32 to index
        %swap3A_489 = arith.constant 352 : index
        %swap3A_490 = tpu.vector_load %arg7[%swap3A_488, %swap3A_489] {strides = array<i32>} : memref<9x1000xf32, #tpu.memory_space<vmem>>, vector<16xf32>,
        tpu.vector_store %arg7[%swap3A_488, %swap3A_489], %mul3A_487 {strides = array<i32>} : memref<9x1000xf32, #tpu.memory_space<vmem>>, vector<16xf32>,
        %get3A_491 = arith.index_cast %scan3A_17 : i32 to index
        %get3A_492 = arith.constant 368 : index
        %get3A_493 = tpu.vector_load %arg6[%get3A_491, %get3A_492] {strides = array<i32>} : memref<9x1000xf32, #tpu.memory_space<vmem>>, vector<16xf32>,
        %mul3A_494 = arith.mulf %div3A_324, %get3A_493 : vector<16xf32>
        %swap3A_495 = arith.index_cast %scan3A_17 : i32 to index
        %swap3A_496 = arith.constant 368 : index
        %swap3A_497 = tpu.vector_load %arg7[%swap3A_495, %swap3A_496] {strides = array<i32>} : memref<9x1000xf32, #tpu.memory_space<vmem>>, vector<16xf32>,
        tpu.vector_store %arg7[%swap3A_495, %swap3A_496], %mul3A_494 {strides = array<i32>} : memref<9x1000xf32, #tpu.memory_space<vmem>>, vector<16xf32>,
        %get3A_498 = arith.index_cast %scan3A_17 : i32 to index
        %get3A_499 = arith.constant 384 : index
        %get3A_500 = tpu.vector_load %arg6[%get3A_498, %get3A_499] {strides = array<i32>} : memref<9x1000xf32, #tpu.memory_space<vmem>>, vector<16xf32>,
        %mul3A_501 = arith.mulf %div3A_324, %get3A_500 : vector<16xf32>
        %swap3A_502 = arith.index_cast %scan3A_17 : i32 to index
        %swap3A_503 = arith.constant 384 : index
        %swap3A_504 = tpu.vector_load %arg7[%swap3A_502, %swap3A_503] {strides = array<i32>} : memref<9x1000xf32, #tpu.memory_space<vmem>>, vector<16xf32>,
        tpu.vector_store %arg7[%swap3A_502, %swap3A_503], %mul3A_501 {strides = array<i32>} : memref<9x1000xf32, #tpu.memory_space<vmem>>, vector<16xf32>,
        %get3A_505 = arith.index_cast %scan3A_17 : i32 to index
        %get3A_506 = arith.constant 400 : index
        %get3A_507 = tpu.vector_load %arg6[%get3A_505, %get3A_506] {strides = array<i32>} : memref<9x1000xf32, #tpu.memory_space<vmem>>, vector<16xf32>,
        %mul3A_508 = arith.mulf %div3A_324, %get3A_507 : vector<16xf32>
        %swap3A_509 = arith.index_cast %scan3A_17 : i32 to index
        %swap3A_510 = arith.constant 400 : index
        %swap3A_511 = tpu.vector_load %arg7[%swap3A_509, %swap3A_510] {strides = array<i32>} : memref<9x1000xf32, #tpu.memory_space<vmem>>, vector<16xf32>,
        tpu.vector_store %arg7[%swap3A_509, %swap3A_510], %mul3A_508 {strides = array<i32>} : memref<9x1000xf32, #tpu.memory_space<vmem>>, vector<16xf32>,
        %get3A_512 = arith.index_cast %scan3A_17 : i32 to index
        %get3A_513 = arith.constant 416 : index
        %get3A_514 = tpu.vector_load %arg6[%get3A_512, %get3A_513] {strides = array<i32>} : memref<9x1000xf32, #tpu.memory_space<vmem>>, vector<16xf32>,
        %mul3A_515 = arith.mulf %div3A_324, %get3A_514 : vector<16xf32>
        %swap3A_516 = arith.index_cast %scan3A_17 : i32 to index
        %swap3A_517 = arith.constant 416 : index
        %swap3A_518 = tpu.vector_load %arg7[%swap3A_516, %swap3A_517] {strides = array<i32>} : memref<9x1000xf32, #tpu.memory_space<vmem>>, vector<16xf32>,
        tpu.vector_store %arg7[%swap3A_516, %swap3A_517], %mul3A_515 {strides = array<i32>} : memref<9x1000xf32, #tpu.memory_space<vmem>>, vector<16xf32>,
        %get3A_519 = arith.index_cast %scan3A_17 : i32 to index
        %get3A_520 = arith.constant 432 : index
        %get3A_521 = tpu.vector_load %arg6[%get3A_519, %get3A_520] {strides = array<i32>} : memref<9x1000xf32, #tpu.memory_space<vmem>>, vector<16xf32>,
        %mul3A_522 = arith.mulf %div3A_324, %get3A_521 : vector<16xf32>
        %swap3A_523 = arith.index_cast %scan3A_17 : i32 to index
        %swap3A_524 = arith.constant 432 : index
        %swap3A_525 = tpu.vector_load %arg7[%swap3A_523, %swap3A_524] {strides = array<i32>} : memref<9x1000xf32, #tpu.memory_space<vmem>>, vector<16xf32>,
        tpu.vector_store %arg7[%swap3A_523, %swap3A_524], %mul3A_522 {strides = array<i32>} : memref<9x1000xf32, #tpu.memory_space<vmem>>, vector<16xf32>,
        %get3A_526 = arith.index_cast %scan3A_17 : i32 to index
        %get3A_527 = arith.constant 448 : index
        %get3A_528 = tpu.vector_load %arg6[%get3A_526, %get3A_527] {strides = array<i32>} : memref<9x1000xf32, #tpu.memory_space<vmem>>, vector<16xf32>,
        %mul3A_529 = arith.mulf %div3A_324, %get3A_528 : vector<16xf32>
        %swap3A_530 = arith.index_cast %scan3A_17 : i32 to index
        %swap3A_531 = arith.constant 448 : index
        %swap3A_532 = tpu.vector_load %arg7[%swap3A_530, %swap3A_531] {strides = array<i32>} : memref<9x1000xf32, #tpu.memory_space<vmem>>, vector<16xf32>,
        tpu.vector_store %arg7[%swap3A_530, %swap3A_531], %mul3A_529 {strides = array<i32>} : memref<9x1000xf32, #tpu.memory_space<vmem>>, vector<16xf32>,
        %get3A_533 = arith.index_cast %scan3A_17 : i32 to index
        %get3A_534 = arith.constant 464 : index
        %get3A_535 = tpu.vector_load %arg6[%get3A_533, %get3A_534] {strides = array<i32>} : memref<9x1000xf32, #tpu.memory_space<vmem>>, vector<16xf32>,
        %mul3A_536 = arith.mulf %div3A_324, %get3A_535 : vector<16xf32>
        %swap3A_537 = arith.index_cast %scan3A_17 : i32 to index
        %swap3A_538 = arith.constant 464 : index
        %swap3A_539 = tpu.vector_load %arg7[%swap3A_537, %swap3A_538] {strides = array<i32>} : memref<9x1000xf32, #tpu.memory_space<vmem>>, vector<16xf32>,
        tpu.vector_store %arg7[%swap3A_537, %swap3A_538], %mul3A_536 {strides = array<i32>} : memref<9x1000xf32, #tpu.memory_space<vmem>>, vector<16xf32>,
        %get3A_540 = arith.index_cast %scan3A_17 : i32 to index
        %get3A_541 = arith.constant 480 : index
        %get3A_542 = tpu.vector_load %arg6[%get3A_540, %get3A_541] {strides = array<i32>} : memref<9x1000xf32, #tpu.memory_space<vmem>>, vector<16xf32>,
        %mul3A_543 = arith.mulf %div3A_324, %get3A_542 : vector<16xf32>
        %swap3A_544 = arith.index_cast %scan3A_17 : i32 to index
        %swap3A_545 = arith.constant 480 : index
        %swap3A_546 = tpu.vector_load %arg7[%swap3A_544, %swap3A_545] {strides = array<i32>} : memref<9x1000xf32, #tpu.memory_space<vmem>>, vector<16xf32>,
        tpu.vector_store %arg7[%swap3A_544, %swap3A_545], %mul3A_543 {strides = array<i32>} : memref<9x1000xf32, #tpu.memory_space<vmem>>, vector<16xf32>,
        %get3A_547 = arith.index_cast %scan3A_17 : i32 to index
        %get3A_548 = arith.constant 496 : index
        %get3A_549 = tpu.vector_load %arg6[%get3A_547, %get3A_548] {strides = array<i32>} : memref<9x1000xf32, #tpu.memory_space<vmem>>, vector<16xf32>,
        %mul3A_550 = arith.mulf %div3A_324, %get3A_549 : vector<16xf32>
        %swap3A_551 = arith.index_cast %scan3A_17 : i32 to index
        %swap3A_552 = arith.constant 496 : index
        %swap3A_553 = tpu.vector_load %arg7[%swap3A_551, %swap3A_552] {strides = array<i32>} : memref<9x1000xf32, #tpu.memory_space<vmem>>, vector<16xf32>,
        tpu.vector_store %arg7[%swap3A_551, %swap3A_552], %mul3A_550 {strides = array<i32>} : memref<9x1000xf32, #tpu.memory_space<vmem>>, vector<16xf32>,
        %get3A_554 = arith.index_cast %scan3A_17 : i32 to index
        %get3A_555 = arith.constant 512 : index
        %get3A_556 = tpu.vector_load %arg6[%get3A_554, %get3A_555] {strides = array<i32>} : memref<9x1000xf32, #tpu.memory_space<vmem>>, vector<16xf32>,
        %mul3A_557 = arith.mulf %div3A_324, %get3A_556 : vector<16xf32>
        %swap3A_558 = arith.index_cast %scan3A_17 : i32 to index
        %swap3A_559 = arith.constant 512 : index
        %swap3A_560 = tpu.vector_load %arg7[%swap3A_558, %swap3A_559] {strides = array<i32>} : memref<9x1000xf32, #tpu.memory_space<vmem>>, vector<16xf32>,
        tpu.vector_store %arg7[%swap3A_558, %swap3A_559], %mul3A_557 {strides = array<i32>} : memref<9x1000xf32, #tpu.memory_space<vmem>>, vector<16xf32>,
        %get3A_561 = arith.index_cast %scan3A_17 : i32 to index
        %get3A_562 = arith.constant 528 : index
        %get3A_563 = tpu.vector_load %arg6[%get3A_561, %get3A_562] {strides = array<i32>} : memref<9x1000xf32, #tpu.memory_space<vmem>>, vector<16xf32>,
        %mul3A_564 = arith.mulf %div3A_324, %get3A_563 : vector<16xf32>
        %swap3A_565 = arith.index_cast %scan3A_17 : i32 to index
        %swap3A_566 = arith.constant 528 : index
        %swap3A_567 = tpu.vector_load %arg7[%swap3A_565, %swap3A_566] {strides = array<i32>} : memref<9x1000xf32, #tpu.memory_space<vmem>>, vector<16xf32>,
        tpu.vector_store %arg7[%swap3A_565, %swap3A_566], %mul3A_564 {strides = array<i32>} : memref<9x1000xf32, #tpu.memory_space<vmem>>, vector<16xf32>,
        %get3A_568 = arith.index_cast %scan3A_17 : i32 to index
        %get3A_569 = arith.constant 544 : index
        %get3A_570 = tpu.vector_load %arg6[%get3A_568, %get3A_569] {strides = array<i32>} : memref<9x1000xf32, #tpu.memory_space<vmem>>, vector<16xf32>,
        %mul3A_571 = arith.mulf %div3A_324, %get3A_570 : vector<16xf32>
        %swap3A_572 = arith.index_cast %scan3A_17 : i32 to index
        %swap3A_573 = arith.constant 544 : index
        %swap3A_574 = tpu.vector_load %arg7[%swap3A_572, %swap3A_573] {strides = array<i32>} : memref<9x1000xf32, #tpu.memory_space<vmem>>, vector<16xf32>,
        tpu.vector_store %arg7[%swap3A_572, %swap3A_573], %mul3A_571 {strides = array<i32>} : memref<9x1000xf32, #tpu.memory_space<vmem>>, vector<16xf32>,
        %get3A_575 = arith.index_cast %scan3A_17 : i32 to index
        %get3A_576 = arith.constant 560 : index
        %get3A_577 = tpu.vector_load %arg6[%get3A_575, %get3A_576] {strides = array<i32>} : memref<9x1000xf32, #tpu.memory_space<vmem>>, vector<16xf32>,
        %mul3A_578 = arith.mulf %div3A_324, %get3A_577 : vector<16xf32>
        %swap3A_579 = arith.index_cast %scan3A_17 : i32 to index
        %swap3A_580 = arith.constant 560 : index
        %swap3A_581 = tpu.vector_load %arg7[%swap3A_579, %swap3A_580] {strides = array<i32>} : memref<9x1000xf32, #tpu.memory_space<vmem>>, vector<16xf32>,
        tpu.vector_store %arg7[%swap3A_579, %swap3A_580], %mul3A_578 {strides = array<i32>} : memref<9x1000xf32, #tpu.memory_space<vmem>>, vector<16xf32>,
        %get3A_582 = arith.index_cast %scan3A_17 : i32 to index
        %get3A_583 = arith.constant 576 : index
        %get3A_584 = tpu.vector_load %arg6[%get3A_582, %get3A_583] {strides = array<i32>} : memref<9x1000xf32, #tpu.memory_space<vmem>>, vector<16xf32>,
        %mul3A_585 = arith.mulf %div3A_324, %get3A_584 : vector<16xf32>
        %swap3A_586 = arith.index_cast %scan3A_17 : i32 to index
        %swap3A_587 = arith.constant 576 : index
        %swap3A_588 = tpu.vector_load %arg7[%swap3A_586, %swap3A_587] {strides = array<i32>} : memref<9x1000xf32, #tpu.memory_space<vmem>>, vector<16xf32>,
        tpu.vector_store %arg7[%swap3A_586, %swap3A_587], %mul3A_585 {strides = array<i32>} : memref<9x1000xf32, #tpu.memory_space<vmem>>, vector<16xf32>,
        %get3A_589 = arith.index_cast %scan3A_17 : i32 to index
        %get3A_590 = arith.constant 592 : index
        %get3A_591 = tpu.vector_load %arg6[%get3A_589, %get3A_590] {strides = array<i32>} : memref<9x1000xf32, #tpu.memory_space<vmem>>, vector<16xf32>,
        %mul3A_592 = arith.mulf %div3A_324, %get3A_591 : vector<16xf32>
        %swap3A_593 = arith.index_cast %scan3A_17 : i32 to index
        %swap3A_594 = arith.constant 592 : index
        %swap3A_595 = tpu.vector_load %arg7[%swap3A_593, %swap3A_594] {strides = array<i32>} : memref<9x1000xf32, #tpu.memory_space<vmem>>, vector<16xf32>,
        tpu.vector_store %arg7[%swap3A_593, %swap3A_594], %mul3A_592 {strides = array<i32>} : memref<9x1000xf32, #tpu.memory_space<vmem>>, vector<16xf32>,
        %get3A_596 = arith.index_cast %scan3A_17 : i32 to index
        %get3A_597 = arith.constant 608 : index
        %get3A_598 = tpu.vector_load %arg6[%get3A_596, %get3A_597] {strides = array<i32>} : memref<9x1000xf32, #tpu.memory_space<vmem>>, vector<16xf32>,
        %mul3A_599 = arith.mulf %div3A_324, %get3A_598 : vector<16xf32>
        %swap3A_600 = arith.index_cast %scan3A_17 : i32 to index
        %swap3A_601 = arith.constant 608 : index
        %swap3A_602 = tpu.vector_load %arg7[%swap3A_600, %swap3A_601] {strides = array<i32>} : memref<9x1000xf32, #tpu.memory_space<vmem>>, vector<16xf32>,
        tpu.vector_store %arg7[%swap3A_600, %swap3A_601], %mul3A_599 {strides = array<i32>} : memref<9x1000xf32, #tpu.memory_space<vmem>>, vector<16xf32>,
        %get3A_603 = arith.index_cast %scan3A_17 : i32 to index
        %get3A_604 = arith.constant 624 : index
        %get3A_605 = tpu.vector_load %arg6[%get3A_603, %get3A_604] {strides = array<i32>} : memref<9x1000xf32, #tpu.memory_space<vmem>>, vector<16xf32>,
        %mul3A_606 = arith.mulf %div3A_324, %get3A_605 : vector<16xf32>
        %swap3A_607 = arith.index_cast %scan3A_17 : i32 to index
        %swap3A_608 = arith.constant 624 : index
        %swap3A_609 = tpu.vector_load %arg7[%swap3A_607, %swap3A_608] {strides = array<i32>} : memref<9x1000xf32, #tpu.memory_space<vmem>>, vector<16xf32>,
        tpu.vector_store %arg7[%swap3A_607, %swap3A_608], %mul3A_606 {strides = array<i32>} : memref<9x1000xf32, #tpu.memory_space<vmem>>, vector<16xf32>,
        %get3A_610 = arith.index_cast %scan3A_17 : i32 to index
        %get3A_611 = arith.constant 640 : index
        %get3A_612 = tpu.vector_load %arg6[%get3A_610, %get3A_611] {strides = array<i32>} : memref<9x1000xf32, #tpu.memory_space<vmem>>, vector<16xf32>,
        %mul3A_613 = arith.mulf %div3A_324, %get3A_612 : vector<16xf32>
        %swap3A_614 = arith.index_cast %scan3A_17 : i32 to index
        %swap3A_615 = arith.constant 640 : index
        %swap3A_616 = tpu.vector_load %arg7[%swap3A_614, %swap3A_615] {strides = array<i32>} : memref<9x1000xf32, #tpu.memory_space<vmem>>, vector<16xf32>,
        tpu.vector_store %arg7[%swap3A_614, %swap3A_615], %mul3A_613 {strides = array<i32>} : memref<9x1000xf32, #tpu.memory_space<vmem>>, vector<16xf32>,
        %get3A_617 = arith.index_cast %scan3A_17 : i32 to index
        %get3A_618 = arith.constant 656 : index
        %get3A_619 = tpu.vector_load %arg6[%get3A_617, %get3A_618] {strides = array<i32>} : memref<9x1000xf32, #tpu.memory_space<vmem>>, vector<16xf32>,
        %mul3A_620 = arith.mulf %div3A_324, %get3A_619 : vector<16xf32>
        %swap3A_621 = arith.index_cast %scan3A_17 : i32 to index
        %swap3A_622 = arith.constant 656 : index
        %swap3A_623 = tpu.vector_load %arg7[%swap3A_621, %swap3A_622] {strides = array<i32>} : memref<9x1000xf32, #tpu.memory_space<vmem>>, vector<16xf32>,
        tpu.vector_store %arg7[%swap3A_621, %swap3A_622], %mul3A_620 {strides = array<i32>} : memref<9x1000xf32, #tpu.memory_space<vmem>>, vector<16xf32>,
        %get3A_624 = arith.index_cast %scan3A_17 : i32 to index
        %get3A_625 = arith.constant 672 : index
        %get3A_626 = tpu.vector_load %arg6[%get3A_624, %get3A_625] {strides = array<i32>} : memref<9x1000xf32, #tpu.memory_space<vmem>>, vector<16xf32>,
        %mul3A_627 = arith.mulf %div3A_324, %get3A_626 : vector<16xf32>
        %swap3A_628 = arith.index_cast %scan3A_17 : i32 to index
        %swap3A_629 = arith.constant 672 : index
        %swap3A_630 = tpu.vector_load %arg7[%swap3A_628, %swap3A_629] {strides = array<i32>} : memref<9x1000xf32, #tpu.memory_space<vmem>>, vector<16xf32>,
        tpu.vector_store %arg7[%swap3A_628, %swap3A_629], %mul3A_627 {strides = array<i32>} : memref<9x1000xf32, #tpu.memory_space<vmem>>, vector<16xf32>,
        %get3A_631 = arith.index_cast %scan3A_17 : i32 to index
        %get3A_632 = arith.constant 688 : index
        %get3A_633 = tpu.vector_load %arg6[%get3A_631, %get3A_632] {strides = array<i32>} : memref<9x1000xf32, #tpu.memory_space<vmem>>, vector<16xf32>,
        %mul3A_634 = arith.mulf %div3A_324, %get3A_633 : vector<16xf32>
        %swap3A_635 = arith.index_cast %scan3A_17 : i32 to index
        %swap3A_636 = arith.constant 688 : index
        %swap3A_637 = tpu.vector_load %arg7[%swap3A_635, %swap3A_636] {strides = array<i32>} : memref<9x1000xf32, #tpu.memory_space<vmem>>, vector<16xf32>,
        tpu.vector_store %arg7[%swap3A_635, %swap3A_636], %mul3A_634 {strides = array<i32>} : memref<9x1000xf32, #tpu.memory_space<vmem>>, vector<16xf32>,
        %get3A_638 = arith.index_cast %scan3A_17 : i32 to index
        %get3A_639 = arith.constant 704 : index
        %get3A_640 = tpu.vector_load %arg6[%get3A_638, %get3A_639] {strides = array<i32>} : memref<9x1000xf32, #tpu.memory_space<vmem>>, vector<16xf32>,
        %mul3A_641 = arith.mulf %div3A_324, %get3A_640 : vector<16xf32>
        %swap3A_642 = arith.index_cast %scan3A_17 : i32 to index
        %swap3A_643 = arith.constant 704 : index
        %swap3A_644 = tpu.vector_load %arg7[%swap3A_642, %swap3A_643] {strides = array<i32>} : memref<9x1000xf32, #tpu.memory_space<vmem>>, vector<16xf32>,
        tpu.vector_store %arg7[%swap3A_642, %swap3A_643], %mul3A_641 {strides = array<i32>} : memref<9x1000xf32, #tpu.memory_space<vmem>>, vector<16xf32>,
        %get3A_645 = arith.index_cast %scan3A_17 : i32 to index
        %get3A_646 = arith.constant 720 : index
        %get3A_647 = tpu.vector_load %arg6[%get3A_645, %get3A_646] {strides = array<i32>} : memref<9x1000xf32, #tpu.memory_space<vmem>>, vector<16xf32>,
        %mul3A_648 = arith.mulf %div3A_324, %get3A_647 : vector<16xf32>
        %swap3A_649 = arith.index_cast %scan3A_17 : i32 to index
        %swap3A_650 = arith.constant 720 : index
        %swap3A_651 = tpu.vector_load %arg7[%swap3A_649, %swap3A_650] {strides = array<i32>} : memref<9x1000xf32, #tpu.memory_space<vmem>>, vector<16xf32>,
        tpu.vector_store %arg7[%swap3A_649, %swap3A_650], %mul3A_648 {strides = array<i32>} : memref<9x1000xf32, #tpu.memory_space<vmem>>, vector<16xf32>,
        %get3A_652 = arith.index_cast %scan3A_17 : i32 to index
        %get3A_653 = arith.constant 736 : index
        %get3A_654 = tpu.vector_load %arg6[%get3A_652, %get3A_653] {strides = array<i32>} : memref<9x1000xf32, #tpu.memory_space<vmem>>, vector<16xf32>,
        %mul3A_655 = arith.mulf %div3A_324, %get3A_654 : vector<16xf32>
        %swap3A_656 = arith.index_cast %scan3A_17 : i32 to index
        %swap3A_657 = arith.constant 736 : index
        %swap3A_658 = tpu.vector_load %arg7[%swap3A_656, %swap3A_657] {strides = array<i32>} : memref<9x1000xf32, #tpu.memory_space<vmem>>, vector<16xf32>,
        tpu.vector_store %arg7[%swap3A_656, %swap3A_657], %mul3A_655 {strides = array<i32>} : memref<9x1000xf32, #tpu.memory_space<vmem>>, vector<16xf32>,
        %get3A_659 = arith.index_cast %scan3A_17 : i32 to index
        %get3A_660 = arith.constant 752 : index
        %get3A_661 = tpu.vector_load %arg6[%get3A_659, %get3A_660] {strides = array<i32>} : memref<9x1000xf32, #tpu.memory_space<vmem>>, vector<16xf32>,
        %mul3A_662 = arith.mulf %div3A_324, %get3A_661 : vector<16xf32>
        %swap3A_663 = arith.index_cast %scan3A_17 : i32 to index
        %swap3A_664 = arith.constant 752 : index
        %swap3A_665 = tpu.vector_load %arg7[%swap3A_663, %swap3A_664] {strides = array<i32>} : memref<9x1000xf32, #tpu.memory_space<vmem>>, vector<16xf32>,
        tpu.vector_store %arg7[%swap3A_663, %swap3A_664], %mul3A_662 {strides = array<i32>} : memref<9x1000xf32, #tpu.memory_space<vmem>>, vector<16xf32>,
        %get3A_666 = arith.index_cast %scan3A_17 : i32 to index
        %get3A_667 = arith.constant 768 : index
        %get3A_668 = tpu.vector_load %arg6[%get3A_666, %get3A_667] {strides = array<i32>} : memref<9x1000xf32, #tpu.memory_space<vmem>>, vector<16xf32>,
        %mul3A_669 = arith.mulf %div3A_324, %get3A_668 : vector<16xf32>
        %swap3A_670 = arith.index_cast %scan3A_17 : i32 to index
        %swap3A_671 = arith.constant 768 : index
        %swap3A_672 = tpu.vector_load %arg7[%swap3A_670, %swap3A_671] {strides = array<i32>} : memref<9x1000xf32, #tpu.memory_space<vmem>>, vector<16xf32>,
        tpu.vector_store %arg7[%swap3A_670, %swap3A_671], %mul3A_669 {strides = array<i32>} : memref<9x1000xf32, #tpu.memory_space<vmem>>, vector<16xf32>,
        %get3A_673 = arith.index_cast %scan3A_17 : i32 to index
        %get3A_674 = arith.constant 784 : index
        %get3A_675 = tpu.vector_load %arg6[%get3A_673, %get3A_674] {strides = array<i32>} : memref<9x1000xf32, #tpu.memory_space<vmem>>, vector<16xf32>,
        %mul3A_676 = arith.mulf %div3A_324, %get3A_675 : vector<16xf32>
        %swap3A_677 = arith.index_cast %scan3A_17 : i32 to index
        %swap3A_678 = arith.constant 784 : index
        %swap3A_679 = tpu.vector_load %arg7[%swap3A_677, %swap3A_678] {strides = array<i32>} : memref<9x1000xf32, #tpu.memory_space<vmem>>, vector<16xf32>,
        tpu.vector_store %arg7[%swap3A_677, %swap3A_678], %mul3A_676 {strides = array<i32>} : memref<9x1000xf32, #tpu.memory_space<vmem>>, vector<16xf32>,
        %get3A_680 = arith.index_cast %scan3A_17 : i32 to index
        %get3A_681 = arith.constant 800 : index
        %get3A_682 = tpu.vector_load %arg6[%get3A_680, %get3A_681] {strides = array<i32>} : memref<9x1000xf32, #tpu.memory_space<vmem>>, vector<16xf32>,
        %mul3A_683 = arith.mulf %div3A_324, %get3A_682 : vector<16xf32>
        %swap3A_684 = arith.index_cast %scan3A_17 : i32 to index
        %swap3A_685 = arith.constant 800 : index
        %swap3A_686 = tpu.vector_load %arg7[%swap3A_684, %swap3A_685] {strides = array<i32>} : memref<9x1000xf32, #tpu.memory_space<vmem>>, vector<16xf32>,
        tpu.vector_store %arg7[%swap3A_684, %swap3A_685], %mul3A_683 {strides = array<i32>} : memref<9x1000xf32, #tpu.memory_space<vmem>>, vector<16xf32>,
        %get3A_687 = arith.index_cast %scan3A_17 : i32 to index
        %get3A_688 = arith.constant 816 : index
        %get3A_689 = tpu.vector_load %arg6[%get3A_687, %get3A_688] {strides = array<i32>} : memref<9x1000xf32, #tpu.memory_space<vmem>>, vector<16xf32>,
        %mul3A_690 = arith.mulf %div3A_324, %get3A_689 : vector<16xf32>
        %swap3A_691 = arith.index_cast %scan3A_17 : i32 to index
        %swap3A_692 = arith.constant 816 : index
        %swap3A_693 = tpu.vector_load %arg7[%swap3A_691, %swap3A_692] {strides = array<i32>} : memref<9x1000xf32, #tpu.memory_space<vmem>>, vector<16xf32>,
        tpu.vector_store %arg7[%swap3A_691, %swap3A_692], %mul3A_690 {strides = array<i32>} : memref<9x1000xf32, #tpu.memory_space<vmem>>, vector<16xf32>,
        %get3A_694 = arith.index_cast %scan3A_17 : i32 to index
        %get3A_695 = arith.constant 832 : index
        %get3A_696 = tpu.vector_load %arg6[%get3A_694, %get3A_695] {strides = array<i32>} : memref<9x1000xf32, #tpu.memory_space<vmem>>, vector<16xf32>,
        %mul3A_697 = arith.mulf %div3A_324, %get3A_696 : vector<16xf32>
        %swap3A_698 = arith.index_cast %scan3A_17 : i32 to index
        %swap3A_699 = arith.constant 832 : index
        %swap3A_700 = tpu.vector_load %arg7[%swap3A_698, %swap3A_699] {strides = array<i32>} : memref<9x1000xf32, #tpu.memory_space<vmem>>, vector<16xf32>,
        tpu.vector_store %arg7[%swap3A_698, %swap3A_699], %mul3A_697 {strides = array<i32>} : memref<9x1000xf32, #tpu.memory_space<vmem>>, vector<16xf32>,
        %get3A_701 = arith.index_cast %scan3A_17 : i32 to index
        %get3A_702 = arith.constant 848 : index
        %get3A_703 = tpu.vector_load %arg6[%get3A_701, %get3A_702] {strides = array<i32>} : memref<9x1000xf32, #tpu.memory_space<vmem>>, vector<16xf32>,
        %mul3A_704 = arith.mulf %div3A_324, %get3A_703 : vector<16xf32>
        %swap3A_705 = arith.index_cast %scan3A_17 : i32 to index
        %swap3A_706 = arith.constant 848 : index
        %swap3A_707 = tpu.vector_load %arg7[%swap3A_705, %swap3A_706] {strides = array<i32>} : memref<9x1000xf32, #tpu.memory_space<vmem>>, vector<16xf32>,
        tpu.vector_store %arg7[%swap3A_705, %swap3A_706], %mul3A_704 {strides = array<i32>} : memref<9x1000xf32, #tpu.memory_space<vmem>>, vector<16xf32>,
        %get3A_708 = arith.index_cast %scan3A_17 : i32 to index
        %get3A_709 = arith.constant 864 : index
        %get3A_710 = tpu.vector_load %arg6[%get3A_708, %get3A_709] {strides = array<i32>} : memref<9x1000xf32, #tpu.memory_space<vmem>>, vector<16xf32>,
        %mul3A_711 = arith.mulf %div3A_324, %get3A_710 : vector<16xf32>
        %swap3A_712 = arith.index_cast %scan3A_17 : i32 to index
        %swap3A_713 = arith.constant 864 : index
        %swap3A_714 = tpu.vector_load %arg7[%swap3A_712, %swap3A_713] {strides = array<i32>} : memref<9x1000xf32, #tpu.memory_space<vmem>>, vector<16xf32>,
        tpu.vector_store %arg7[%swap3A_712, %swap3A_713], %mul3A_711 {strides = array<i32>} : memref<9x1000xf32, #tpu.memory_space<vmem>>, vector<16xf32>,
        %get3A_715 = arith.index_cast %scan3A_17 : i32 to index
        %get3A_716 = arith.constant 880 : index
        %get3A_717 = tpu.vector_load %arg6[%get3A_715, %get3A_716] {strides = array<i32>} : memref<9x1000xf32, #tpu.memory_space<vmem>>, vector<16xf32>,
        %mul3A_718 = arith.mulf %div3A_324, %get3A_717 : vector<16xf32>
        %swap3A_719 = arith.index_cast %scan3A_17 : i32 to index
        %swap3A_720 = arith.constant 880 : index
        %swap3A_721 = tpu.vector_load %arg7[%swap3A_719, %swap3A_720] {strides = array<i32>} : memref<9x1000xf32, #tpu.memory_space<vmem>>, vector<16xf32>,
        tpu.vector_store %arg7[%swap3A_719, %swap3A_720], %mul3A_718 {strides = array<i32>} : memref<9x1000xf32, #tpu.memory_space<vmem>>, vector<16xf32>,
        %get3A_722 = arith.index_cast %scan3A_17 : i32 to index
        %get3A_723 = arith.constant 896 : index
        %get3A_724 = tpu.vector_load %arg6[%get3A_722, %get3A_723] {strides = array<i32>} : memref<9x1000xf32, #tpu.memory_space<vmem>>, vector<16xf32>,
        %mul3A_725 = arith.mulf %div3A_324, %get3A_724 : vector<16xf32>
        %swap3A_726 = arith.index_cast %scan3A_17 : i32 to index
        %swap3A_727 = arith.constant 896 : index
        %swap3A_728 = tpu.vector_load %arg7[%swap3A_726, %swap3A_727] {strides = array<i32>} : memref<9x1000xf32, #tpu.memory_space<vmem>>, vector<16xf32>,
        tpu.vector_store %arg7[%swap3A_726, %swap3A_727], %mul3A_725 {strides = array<i32>} : memref<9x1000xf32, #tpu.memory_space<vmem>>, vector<16xf32>,
        %get3A_729 = arith.index_cast %scan3A_17 : i32 to index
        %get3A_730 = arith.constant 912 : index
        %get3A_731 = tpu.vector_load %arg6[%get3A_729, %get3A_730] {strides = array<i32>} : memref<9x1000xf32, #tpu.memory_space<vmem>>, vector<16xf32>,
        %mul3A_732 = arith.mulf %div3A_324, %get3A_731 : vector<16xf32>
        %swap3A_733 = arith.index_cast %scan3A_17 : i32 to index
        %swap3A_734 = arith.constant 912 : index
        %swap3A_735 = tpu.vector_load %arg7[%swap3A_733, %swap3A_734] {strides = array<i32>} : memref<9x1000xf32, #tpu.memory_space<vmem>>, vector<16xf32>,
        tpu.vector_store %arg7[%swap3A_733, %swap3A_734], %mul3A_732 {strides = array<i32>} : memref<9x1000xf32, #tpu.memory_space<vmem>>, vector<16xf32>,
        %get3A_736 = arith.index_cast %scan3A_17 : i32 to index
        %get3A_737 = arith.constant 928 : index
        %get3A_738 = tpu.vector_load %arg6[%get3A_736, %get3A_737] {strides = array<i32>} : memref<9x1000xf32, #tpu.memory_space<vmem>>, vector<16xf32>,
        %mul3A_739 = arith.mulf %div3A_324, %get3A_738 : vector<16xf32>
        %swap3A_740 = arith.index_cast %scan3A_17 : i32 to index
        %swap3A_741 = arith.constant 928 : index
        %swap3A_742 = tpu.vector_load %arg7[%swap3A_740, %swap3A_741] {strides = array<i32>} : memref<9x1000xf32, #tpu.memory_space<vmem>>, vector<16xf32>,
        tpu.vector_store %arg7[%swap3A_740, %swap3A_741], %mul3A_739 {strides = array<i32>} : memref<9x1000xf32, #tpu.memory_space<vmem>>, vector<16xf32>,
        %get3A_743 = arith.index_cast %scan3A_17 : i32 to index
        %get3A_744 = arith.constant 944 : index
        %get3A_745 = tpu.vector_load %arg6[%get3A_743, %get3A_744] {strides = array<i32>} : memref<9x1000xf32, #tpu.memory_space<vmem>>, vector<16xf32>,
        %mul3A_746 = arith.mulf %div3A_324, %get3A_745 : vector<16xf32>
        %swap3A_747 = arith.index_cast %scan3A_17 : i32 to index
        %swap3A_748 = arith.constant 944 : index
        %swap3A_749 = tpu.vector_load %arg7[%swap3A_747, %swap3A_748] {strides = array<i32>} : memref<9x1000xf32, #tpu.memory_space<vmem>>, vector<16xf32>,
        tpu.vector_store %arg7[%swap3A_747, %swap3A_748], %mul3A_746 {strides = array<i32>} : memref<9x1000xf32, #tpu.memory_space<vmem>>, vector<16xf32>,
        %get3A_750 = arith.index_cast %scan3A_17 : i32 to index
        %get3A_751 = arith.constant 960 : index
        %get3A_752 = tpu.vector_load %arg6[%get3A_750, %get3A_751] {strides = array<i32>} : memref<9x1000xf32, #tpu.memory_space<vmem>>, vector<16xf32>,
        %mul3A_753 = arith.mulf %div3A_324, %get3A_752 : vector<16xf32>
        %swap3A_754 = arith.index_cast %scan3A_17 : i32 to index
        %swap3A_755 = arith.constant 960 : index
        %swap3A_756 = tpu.vector_load %arg7[%swap3A_754, %swap3A_755] {strides = array<i32>} : memref<9x1000xf32, #tpu.memory_space<vmem>>, vector<16xf32>,
        tpu.vector_store %arg7[%swap3A_754, %swap3A_755], %mul3A_753 {strides = array<i32>} : memref<9x1000xf32, #tpu.memory_space<vmem>>, vector<16xf32>,
        %get3A_757 = arith.index_cast %scan3A_17 : i32 to index
        %get3A_758 = arith.constant 976 : index
        %get3A_759 = tpu.vector_load %arg6[%get3A_757, %get3A_758] {strides = array<i32>} : memref<9x1000xf32, #tpu.memory_space<vmem>>, vector<16xf32>,
        %mul3A_760 = arith.mulf %div3A_324, %get3A_759 : vector<16xf32>
        %swap3A_761 = arith.index_cast %scan3A_17 : i32 to index
        %swap3A_762 = arith.constant 976 : index
        %swap3A_763 = tpu.vector_load %arg7[%swap3A_761, %swap3A_762] {strides = array<i32>} : memref<9x1000xf32, #tpu.memory_space<vmem>>, vector<16xf32>,
        tpu.vector_store %arg7[%swap3A_761, %swap3A_762], %mul3A_760 {strides = array<i32>} : memref<9x1000xf32, #tpu.memory_space<vmem>>, vector<16xf32>,
        %get3A_764 = arith.index_cast %scan3A_17 : i32 to index
        %get3A_765 = arith.constant 984 : index
        %get3A_766 = tpu.vector_load %arg6[%get3A_764, %get3A_765] {strides = array<i32>} : memref<9x1000xf32, #tpu.memory_space<vmem>>, vector<16xf32>,
        %mul3A_767 = arith.mulf %div3A_324, %get3A_766 : vector<16xf32>
        %swap3A_768 = arith.index_cast %scan3A_17 : i32 to index
        %swap3A_769 = arith.constant 984 : index
        %swap3A_770 = tpu.vector_load %arg7[%swap3A_768, %swap3A_769] {strides = array<i32>} : memref<9x1000xf32, #tpu.memory_space<vmem>>, vector<16xf32>,
        tpu.vector_store %arg7[%swap3A_768, %swap3A_769], %mul3A_767 {strides = array<i32>} : memref<9x1000xf32, #tpu.memory_space<vmem>>, vector<16xf32>,
        %get3A_771 = arith.index_cast %scan3A_17 : i32 to index
        %get3A_772 = arith.index_cast %mul3A_300 : i32 to index
        %get3A_773 = tpu.vector_load %arg7[%get3A_771, %get3A_772] {strides = array<i32>} : memref<9x1000xf32, #tpu.memory_space<vmem>>, vector<16xf32>,
        %eq3A_774 = vector.broadcast %sub3A_301 : i32 to vector<16xi32>
        %eq3A_775 = arith.cmpi eq, %iota3A, %eq3A_774 : vector<16xi32>
        %select_n3A_776 = arith.select %eq3A_775, %add3A_330, %get3A_773 : vector<16xi1>, vector<16xf32>
        %swap3A_777 = arith.index_cast %scan3A_17 : i32 to index
        %swap3A_778 = arith.index_cast %mul3A_300 : i32 to index
        %swap3A_779 = tpu.vector_load %arg7[%swap3A_777, %swap3A_778] {strides = array<i32>} : memref<9x1000xf32, #tpu.memory_space<vmem>>, vector<16xf32>,
        tpu.vector_store %arg7[%swap3A_777, %swap3A_778], %select_n3A_776 {strides = array<i32>} : memref<9x1000xf32, #tpu.memory_space<vmem>>, vector<16xf32>,
      }
      %scan3A_16 = arith.constant 8 : i32
      "tpu.region"() ({
        %run_scoped3A = tpu.sem_alloc : memref<!tpu.dma_semaphore, #tpu.memory_space<semaphore_mem>>
        %dma_start3A = arith.constant 0 : i32
        %dma_start3A_17 = arith.constant 0 : i32
        %dma_start3A_18 = tpu.memref_slice %arg7[%dma_start3A, %dma_start3A_17] : memref<9x1000xf32, #tpu.memory_space<vmem>> -> memref<8x1000xf32, #tpu.memory_space<vmem>>
        %dma_start3A_19 = arith.constant 0 : i32
        %dma_start3A_20 = tpu.memref_slice %arg4[%add3A_11, %dma_start3A_19] : memref<16384x1000xf32, #tpu.memory_space<hbm>> -> memref<8x1000xf32, #tpu.memory_space<hbm>>
        %dma_start3A_21 = arith.constant 0 : i32
        %dma_start3A_22 = tpu.memref_slice %arg4[%add3A_11, %dma_start3A_21] : memref<16384x1000xf32, #tpu.memory_space<hbm>> -> memref<8x1000xf32, #tpu.memory_space<hbm>>
        %dma_start3A_23 = arith.constant 0 : i32
        %dma_start3A_24 = arith.constant 0 : i32
        %dma_start3A_25 = tpu.memref_slice %arg7[%dma_start3A_23, %dma_start3A_24] : memref<9x1000xf32, #tpu.memory_space<vmem>> -> memref<8x1000xf32, #tpu.memory_space<vmem>>
        tpu.enqueue_dma source(%dma_start3A_25 : memref<8x1000xf32, #tpu.memory_space<vmem>>) target(%dma_start3A_22 : memref<8x1000xf32, #tpu.memory_space<hbm>>) target_semaphore(%run_scoped3A : memref<!tpu.dma_semaphore, #tpu.memory_space<semaphore_mem>>)
        %dma_wait3A = arith.constant 0 : i32
        %dma_wait3A_26 = arith.constant 0 : i32
        %dma_wait3A_27 = tpu.memref_slice %arg7[%dma_wait3A, %dma_wait3A_26] : memref<9x1000xf32, #tpu.memory_space<vmem>> -> memref<8x1000xf32, #tpu.memory_space<vmem>>
        %dma_wait3A_28 = arith.constant 0 : i32
        %dma_wait3A_29 = tpu.memref_slice %arg4[%add3A_11, %dma_wait3A_28] : memref<16384x1000xf32, #tpu.memory_space<hbm>> -> memref<8x1000xf32, #tpu.memory_space<hbm>>
        %dma_wait3A_30 = arith.constant 0 : i32
        %dma_wait3A_31 = tpu.memref_slice %arg4[%add3A_11, %dma_wait3A_30] : memref<16384x1000xf32, #tpu.memory_space<hbm>> -> memref<8x1000xf32, #tpu.memory_space<hbm>>
        %dma_wait3A_32 = arith.constant 0 : i32
        %dma_wait3A_33 = arith.constant 0 : i32
        %dma_wait3A_34 = tpu.memref_slice %arg7[%dma_wait3A_32, %dma_wait3A_33] : memref<9x1000xf32, #tpu.memory_space<vmem>> -> memref<8x1000xf32, #tpu.memory_space<vmem>>
        tpu.wait_dma2 semaphore(%run_scoped3A : memref<!tpu.dma_semaphore, #tpu.memory_space<semaphore_mem>>) src(%dma_wait3A_34 : memref<8x1000xf32, #tpu.memory_space<vmem>>) dst(%dma_wait3A_31 : memref<8x1000xf32, #tpu.memory_space<hbm>>)
        tpu.yield
      }) : () -> ()
    }
    %scan3A_7 = arith.constant 64 : i32
    return
  }
}

</mosaic_0001>

<sc_bundles>
// kernel: kernel.3.cloned.1.call-start
scs
__scs_entry_jumppad:
0x0: {  	(pc) =	sbr.rel $0x88, $3  }
0x1: {  	(tag) =	ssettag $0x0;
	lr =	simm.s32 $0x1  }
0x2: {  	[smem:$0x3F9F] =	sst lr;
	_ =	strace $0xD0000000  }
0x3: {  	_ = 	snop  }
0x4: {  	_ = 	snop  }
0x5: {  	_ = 	snop  }
0x6: {  	_ = 	snop  }
0x7: {  	_ = 	snop  }
__scs_overlays_trampoline_lowered:
0x8: {  	[smem:$0x3FAE] =	sst s0  }
0x9: {  	[smem:$0x3FAF] =	sst s1  }
0xa: {  	[smem:$0x3FB0] =	sst s2  }
0xb: {  	[smem:$0x3FB1] =	sst s3  }
0xc: {  	[smem:$0x3FB2] =	sst s4  }
0xd: {  	[smem:$0x3FB3] =	sst s5  }
0xe: {  	[smem:$0x3FB4] =	sst s6  }
0xf: {  	[smem:$0x3FB5] =	sst s7  }
0x10: {  	[smem:$0x3FB6] =	sst s8  }
0x11: {  	[smem:$0x3FB7] =	sst s9;
	s0 =	simm.s32 @!p0 $0x0  }
0x12: {  	s1 =	sld [smem:$0x3F9D];
	s0 =	simm.s32 @p0 $0x1  }
0x13: {  	[smem:$0x3FB8] =	sst s0;
	s0 =	simm.s32 @!p1 $0x0  }
0x14: {  	s2 =	sld [smem:$0x3F9C];
	s0 =	simm.s32 @p1 $0x1  }
0x15: {  	[smem:$0x3FB9] =	sst s0;
	s0 =	simm.s32 @!p2 $0x0  }
0x16: {  	s3 =	sld [smem:$0x3FDB];
	s0 =	simm.s32 @p2 $0x1  }
0x17: {  	s4 =	simm.s32 $0x1BF5;
	[smem:$0x3FBB] =	sst s0  }
0x18: {  	s0 =	sld [smem:$0x3F9E];
	_ =	swait.ge [sflag:s4], $0x0  }
0x19: {  	s7 =	sld [smem:$0x3F9F]  }
0x1a: {  	s8 =	sadd.s32 $0xFFFFE003, lr  }
0x1b: {  	s9 =	sadd.s32 $0xFFFFFEF7, lr;
	s5 =	simm.s32 $0xFFFFFFFF;
	p2 =	slt.u32 s8, $0xFFFFF086  }
0x1c: {  	p1 =	slt.u32 s9, $0xF7A;
	s5 =	simm.s32 @!p2 $0x0  }
0x1d: {  	s5 =	simm.s32 @p1 $0x1;
	p0 =	seq.s32 s7, s2  }
0x1e: {  	s7 =	smul.u32 @!p0 $0xF7A, s2;
	p2 =	seq.s32 @!p0 s5, $0x0  }
0x1f: {  	s9 =	smul.u32 $0xF7A, s1;
	s8 =	simm.s32 @!p0 $0x1BF5;
	p2 =	por !p2, p0  }
0x20: {  	[sflag:s8] =	ssyncset.s32 @!p0 $0xFFFFF086;
	s6 =	sadd.s32 @!p0 s3, s7;
	s7 =	simm.s32 @!p0 $0x108  }
0x21: {  	s3 =	sadd.s32 s3, s9;
	s6 =	sadd.s32 @!p0 $0x88, s6;
	s7 =	simm.s32 @p2 $0x1082  }
0x22: {  	[simem:s7], [sflag:s8] =	dma.local @!p0 [hbm:s6], $0xF7A  }
0x23: {  	s9 =	sor.u32 $0xD0000000, s2;
	s6 =	simm.s32 $0x108;
	_ =	swait.ge @!p0 [sflag:s8], $0x0  }
0x24: {  	s3 =	sadd.s32 $0x88, s3;
	s6 =	simm.s32 @!p1 $0x1082;
	[sflag:s4] =	ssyncset.s32 $0xFFFFF086  }
0x25: {  	[simem:s6], [sflag:s4] =	dma.local [hbm:s3], $0xF7A  }
0x26: {  	[smem:$0x3F9F] =	sst s1;
	(tag) =	ssettag s2;
	_ =	strace s9  }
0x27: {  	s1 =	sld [smem:$0x3FAF]  }
0x28: {  	s2 =	sld [smem:$0x3FB0]  }
0x29: {  	s4 =	sld [smem:$0x3FB2]  }
0x2a: {  	p0 =	seq.s32 s5, $0x0;
	s5 =	sld [smem:$0x3FB3]  }
0x2b: {  	s6 =	sld [smem:$0x3FB4]  }
0x2c: {  	s7 =	sld [smem:$0x3FB5]  }
0x2d: {  	s3 =	simm.s32 $0x108;
	s8 =	sld [smem:$0x3FB6]  }
0x2e: {  	s3 =	simm.s32 @!p0 $0x1082;
	s9 =	sld [smem:$0x3FB7]  }
0x2f: {  	lr =	sadd.s32 s0, s3;
	s0 =	sld [smem:$0x3FAE]  }
0x30: {  	s3 =	sld [smem:$0x3FB1]  }
0x31: {  	[smem:$0x3FBA] =	sst s10  }
0x32: {  	s10 =	sld [smem:$0x3FB8];
	_ =	sdelay $0x3  }
0x33: {  	p0 =	seq.s32 s10, $0x1;
	s10 =	sld [smem:$0x3FBA];
	_ =	sdelay $0x3  }
0x34: {  	[smem:$0x3FBA] =	sst s10  }
0x35: {  	s10 =	sld [smem:$0x3FB9];
	_ =	sdelay $0x3  }
0x36: {  	p1 =	seq.s32 s10, $0x1;
	s10 =	sld [smem:$0x3FBA];
	_ =	sdelay $0x3  }
0x37: {  	[smem:$0x3FBA] =	sst s10  }
0x38: {  	s10 =	sld [smem:$0x3FBB]  }
0x39: {  	_ = 	snop;
	(pc) =	sbr.ind lr, $3  }
0x3a: {  	_ = 	snop  }
0x3b: {  	_ = 	snop  }
0x3c: {  	p2 =	seq.s32 s10, $0x1;
	s10 =	sld [smem:$0x3FBA]  }
0x3d: {  	_ =	shalt  }
0x3e: {  	_ =	shalt  }
0x3f: {  	_ =	shalt  }
0x40: {  	_ =	shalt  }
0x41: {  	_ =	shalt  }
0x42: {  	_ =	shalt  }
0x43: {  	_ =	shalt  }
0x44: {  	_ =	shalt  }
0x45: {  	_ =	shalt  }
0x46: {  	_ =	shalt  }
0x47: {  	_ =	shalt  }
0x48: {  	_ =	shalt  }
0x49: {  	_ =	shalt  }
0x4a: {  	_ =	shalt  }
0x4b: {  	_ =	shalt  }
0x4c: {  	_ =	shalt  }
0x4d: {  	_ =	shalt  }
0x4e: {  	_ =	shalt  }
0x4f: {  	_ =	shalt  }
0x50: {  	_ =	shalt  }
0x51: {  	_ =	shalt  }
0x52: {  	_ =	shalt  }
0x53: {  	_ =	shalt  }
0x54: {  	_ =	shalt  }
0x55: {  	_ =	shalt  }
0x56: {  	_ =	shalt  }
0x57: {  	_ =	shalt  }
0x58: {  	_ =	shalt  }
0x59: {  	_ =	shalt  }
0x5a: {  	_ =	shalt  }
0x5b: {  	_ =	shalt  }
0x5c: {  	_ =	shalt  }
0x5d: {  	_ =	shalt  }
0x5e: {  	_ =	shalt  }
0x5f: {  	_ =	shalt  }
0x60: {  	_ =	shalt  }
0x61: {  	_ =	shalt  }
0x62: {  	_ =	shalt  }
0x63: {  	_ =	shalt  }
0x64: {  	_ =	shalt  }
0x65: {  	_ =	shalt  }
0x66: {  	_ =	shalt  }
0x67: {  	_ =	shalt  }
0x68: {  	_ =	shalt  }
0x69: {  	_ =	shalt  }
0x6a: {  	_ =	shalt  }
0x6b: {  	_ =	shalt  }
0x6c: {  	_ =	shalt  }
0x6d: {  	_ =	shalt  }
0x6e: {  	_ =	shalt  }
0x6f: {  	_ =	shalt  }
0x70: {  	_ =	shalt  }
0x71: {  	_ =	shalt  }
0x72: {  	_ =	shalt  }
0x73: {  	_ =	shalt  }
0x74: {  	_ =	shalt  }
0x75: {  	_ =	shalt  }
0x76: {  	_ =	shalt  }
0x77: {  	_ =	shalt  }
0x78: {  	_ =	shalt  }
0x79: {  	_ =	shalt  }
0x7a: {  	_ =	shalt  }
0x7b: {  	_ =	shalt  }
0x7c: {  	_ =	shalt  }
0x7d: {  	_ =	shalt  }
0x7e: {  	_ =	shalt  }
0x7f: {  	_ =	shalt  }
0x80: {  	_ =	shalt  }
0x81: {  	_ =	shalt  }
0x82: {  	_ =	shalt  }
0x83: {  	_ =	shalt  }
0x84: {  	_ =	shalt  }
0x85: {  	_ =	shalt  }
0x86: {  	_ =	shalt  }
0x87: {  	_ =	shalt  }
.Lfunc_end0:
.L_simem_size_0:
called_computation_lowered:
.L_overlay_start_0:
0x88: {  	s2 =	sld [smem:$0x3FD9]  }
0x89: {  	s3 =	sld [smem:$0x3FFE];
	_ =	sdelay $0x1  }
0x8a: {  	s1 =	srdreg.scid  }
0x8b: {  	s0 =	sand.u32 $0x1, s1  }
0x8c: {  	s17 =	sshll.u32 s0, $0xA;
	s2 =	sadd.s32 s3, s2  }
0x8d: {  	s2 =	sadd.s32 s2, s17  }
0x8e: {  	[smem:$0x3FC6] =	sst s2  }
0x8f: {  	_ = 	snop  }
0x90: {  	s2 =	sld [smem:$0x3FC8];
	(tm) =	ssettm $0x1  }
0x91: {  	s18 =	sld [smem:$0x3FFB];
	_ =	sdelay $0x3  }
0x92: {  	_ =	strace s18  }
0x93: {  	s3 =	sld [smem:$0x3FFC];
	_ =	sdelay $0x3  }
0x94: {  	_ =	strace s3  }
0x95: {  	s3 =	sld [smem:$0x3FFD];
	_ =	sdelay $0x3  }
0x96: {  	_ =	strace s3  }
0x97: {  	_ =	strace $0x8FFFFFFF  }
0x98: {  	s19 =	sld [smem:$0x3FDB];
	_ =	sdelay $0x1  }
0x99: {  	s4 =	simm.s32 $_scs_section_size  }
0x9a: {  	s5 =	simm.s32 $_size__tile_overlayer_lowered;
	s6 =	simm.s32 $_tile_overlayer_lowered  }
0x9b: {  	s22 =	simm.s32 $0x1BFF;
	s21 =	sshll.u32 s6, $0x1;
	s3 =	sadd.s32 s4, s19  }
0x9c: {  	s7 =	simm.s32 $0x0;
	s20 =	sshll.u32 s5, $0x1;
	s5 =	sadd.s32 s21, s3  }
0x9d: {  	[timem:s7], [sflag:s22] =	dma.local [hbm:s5], s20  }
0x9e: {  	_ =	swait.ge [sflag:s22], s20  }
0x9f: {  	s4 =	ssub.s32 $0x0, s20;
	[sflag:s22] =	ssyncset.done $0x0  }
0xa0: {  	[sflag:s22] =	ssyncadd.s32 s4;
	_ =	sdelay $0x1  }
0xa1: {  	s23 =	simm.s32 $0x1B8B  }
0xa2: {  	_ =	swait.ge [sflag:s23], $0x1  }
0xa3: {  	[sflag:s23] =	ssyncset.done $0x0  }
0xa4: {  	s25 =	simm.s32 $0x1B8E;
	s24 =	sld [smem:$0x3FFE];
	[sflag:s23] =	ssyncadd.s32 $0xFFFFFFFF  }
0xa5: {  	s26 =	simm.s32 $execute0_lowered;
	[smem:$0x3FD2] =	sst s25  }
0xa6: {  	s5 =	sshll.u32 s26, $0x1;
	_ =	strace $0x80000046;
	[dreg:$0x1] =	wrdreg $0xFFFFFFFF  }
0xa7: {  	s28 =	simm.s32 $_size_execute0_lowered;
	s3 =	sadd.s32 s3, s5;
	[dreg:$0x0] =	wrdreg $0x0  }
0xa8: {  	s5 =	sshll.u32 s28, $0x1;
	[dreg:$0x2] =	wrdreg s3  }
0xa9: {  	[dreg:$0x3] =	wrdreg s5  }
0xaa: {  	[dreg:$0x4] =	wrdreg $0xC0  }
0xab: {  	_ =	task [dreg:s7], $0x5FFFF  }
0xac: {  	[dreg:$0x1] =	wrdreg $0xFFFFFFFF  }
0xad: {  	[dreg:$0x0] =	wrdreg $0x60  }
0xae: {  	[dreg:$0x2] =	wrdreg s24  }
0xaf: {  	[dreg:$0x3] =	wrdreg s2  }
0xb0: {  	[dreg:$0x4] =	wrdreg $0x9  }
0xb1: {  	_ =	task.clear_ibuf [dreg:s7], $0x5FFFF;
	_ =	strace $0x90000046  }
0xb2: {  	s29 =	simm.s32 $0x9;
	_ =	strace $0x80000048  }
0xb3: {  	_ =	swait.ge [sflag:s29], $0x1  }
0xb4: {  	[sflag:s29] =	ssyncadd.s32 $0xFFFFFFFF  }
0xb5: {  	_ =	strace $0x90000048  }
0xb6: {  	_ =	sfence  }
0xb7: {  	s30 =	sld [smem:$0x0];
	_ =	sdelay $0x2  }
0xb8: {  	s31 =	sshll.u32 s1, $0xD;
	s1 =	sshrl.u32 s1, $0x2  }
0xb9: {  	s3 =	sand.u32 $0x4000, s31;
	s1 =	sadd.s32 s1, s30  }
0xba: {  	s0 =	sor.u32 s3, s0;
	s1 =	sshll.u32 s1, $0x11  }
0xbb: {  	s0 =	sor.u32 s1, s0  }
0xbc: {  	s0 =	sadd.s32 $0x8F2B, s0  }
0xbd: {  	[sflag:s0] =	ssyncadd.remote.s32 $0x1  }
0xbe: {  	_ =	sfence.sel $0xFFFF  }
0xbf: {  	[dreg:$0x0] =	wrdreg $0xFFFFFFFF;
	(pc) =	sbr.abs _section_cstart, $3  }
0xc0: {  	[dreg:$0x1] =	wrdreg $0xFFFFFFFF  }
0xc1: {  	_ =	task.clear_ibuf [dreg:s7], $0x2FFFF;
	_ =	strace $0x9FFFFFFF  }
0xc2: {  	(tm) =	ssettm $0x7FFFFFFF  }
0xc3: {  	_ =	shalt  }
tec
execute0_lowered:
.L_overlay_start_1:
0x0: {  	(tag) =	ssettag $0x1  }
0x1: {  	s4 =	rddreg [dreg:$0x0]  }
0x2: {  	s5 =	rddreg [dreg:$0x1]  }
0x3: {  	s0 =	rddreg [dreg:$0x2];
	s3 =	srdreg.scid  }
0x4: {  	s2 =	simm.s32 $0x0;
	s1 =	stileid.u32;
	s10 =	simm.s32 $0x4280  }
0x5: {  	s11 =	simm.s32 $0x0;
	s3 =	sand.u32 $0x1, s3;
	[smem:$0x7FF] =	sst s2  }
0x6: {  	s6 =	sshll.u32 s1, $0xA;
	s7 =	sshll.u32 s3, $0x9;
	_ =	strace $0x80000047  }
0x7: {  	s8 =	ssub.s32 $0x2, s3;
	s3 =	sadd.s32 $0x400, s4;
	s9 =	sor.u32 s7, s6  }
0x8: {  	s4 =	sadd.s32 $0x200400, s4;
	s31 =	sshrl.u32 s8, $0x1;
	s7 =	sshrl.u32 s9, $0x3  }
0x9: {  	s6 =	ssub.s32 s8, s31;
	s8 =	sshll.u32 s9, $0x7;
	s9 =	simm.s32 $0x280  }
0xa: {  	vm0 =	vmmov $0xff;
	v0 =	vlaneseq.u32;
	s5 =	sadd.s32 s5, s7;
	s6 =	smax.u32 s6, $0x1;
	s7 =	simm.s32 $0x1  }
.LBB2_1:
0xb: {  	[tilespmem:s2], [sflag:$0x1] =	stream.linear.gather [hbm4b:s5+s2], $0x200, $0x38;
	[tilespmem:$0x8280] =	vst v63  }
0xc: {  	_ =	swait.ge [sflag:s7], $0x200  }
0xd: {  	[sflag:s7] =	ssyncset.done $0x0  }
0xe: {  	s12 =	simm.s32 $0x0;
	s13 =	simm.s32 $0x0;
	[sflag:s7] =	ssyncadd.s32 $0xFFFFFE00  }
.LBB2_2:
0xf: {  	s14 =	sshll.u32 s13, $0xA  }
0x10: {  	s14 =	sor.u32 s8, s14  }
0x11: {  	s15 =	simm.s32 $0x0;
	s16 =	sadd.s32 s3, s14  }
0x12: {  	[tilespmem:s9], [sflag:$0x1] =	stream.linear.gather [hbm4b:s16+s15], $0x2000, $0x38;
	[tilespmem:$0x8280] =	vst v63  }
0x13: {  	_ =	swait.ge [sflag:s7], $0x2000  }
0x14: {  	s17 =	simm.s32 $0x5280;
	[sflag:s7] =	ssyncset.done $0x0  }
0x15: {  	s18 =	smov.u32 s12;
	s16 =	simm.s32 $0x1280;
	[sflag:s7] =	ssyncadd.s32 $0xFFFFE000  }
.LBB2_3:
0x16: {  	v4 =	vld [tilespmem:s16+$0xFFFFF000];
	_ =	sdelay $0x1  }
0x17: {  	v1 =	vld [tilespmem:s16+$0xFFFFF010];
	_ =	sdelay $0x1  }
0x18: {  	v2 =	vld [tilespmem:s16+$0xFFFFF020]  }
0x19: {  	v3 =	vadd.f32 $0.0e+00, v4  }
0x1a: {  	v5 =	vld [tilespmem:s16+$0xFFFFF030]  }
0x1b: {  	v1 =	vadd.f32 v1, v3  }
0x1c: {  	v3 =	vld [tilespmem:s16+$0xFFFFF040]  }
0x1d: {  	v1 =	vadd.f32 v2, v1  }
0x1e: {  	v2 =	vld [tilespmem:s16+$0xFFFFF050]  }
0x1f: {  	v1 =	vadd.f32 v5, v1  }
0x20: {  	v44 =	vld [tilespmem:s16+$0xFFFFF060]  }
0x21: {  	v1 =	vadd.f32 v3, v1  }
0x22: {  	v3 =	vld [tilespmem:s16+$0xFFFFF070]  }
0x23: {  	v1 =	vadd.f32 v2, v1  }
0x24: {  	v2 =	vld [tilespmem:s16+$0xFFFFF400]  }
0x25: {  	v1 =	vadd.f32 v44, v1  }
0x26: {  	v45 =	vld [tilespmem:s16+$0xFFFFF410]  }
0x27: {  	v1 =	vadd.f32 v3, v1  }
0x28: {  	v3 =	vld [tilespmem:s16+$0xFFFFF420]  }
0x29: {  	v1 =	vadd.f32 v2, v1  }
0x2a: {  	v2 =	vld [tilespmem:s16+$0xFFFFF430]  }
0x2b: {  	v1 =	vadd.f32 v45, v1  }
0x2c: {  	v46 =	vld [tilespmem:s16+$0xFFFFF440]  }
0x2d: {  	v1 =	vadd.f32 v3, v1  }
0x2e: {  	v3 =	vld [tilespmem:s16+$0xFFFFF450]  }
0x2f: {  	v1 =	vadd.f32 v2, v1  }
0x30: {  	v2 =	vld [tilespmem:s16+$0xFFFFF460]  }
0x31: {  	v1 =	vadd.f32 v46, v1  }
0x32: {  	v47 =	vld [tilespmem:s16+$0xFFFFF470]  }
0x33: {  	v1 =	vadd.f32 v3, v1  }
0x34: {  	v3 =	vld [tilespmem:s16+$0xFFFFF800]  }
0x35: {  	v1 =	vadd.f32 v2, v1  }
0x36: {  	v2 =	vld [tilespmem:s16+$0xFFFFF810]  }
0x37: {  	v1 =	vadd.f32 v47, v1  }
0x38: {  	v48 =	vld [tilespmem:s16+$0xFFFFF820]  }
0x39: {  	v1 =	vadd.f32 v3, v1  }
0x3a: {  	v3 =	vld [tilespmem:s16+$0xFFFFF830]  }
0x3b: {  	v1 =	vadd.f32 v2, v1  }
0x3c: {  	v2 =	vld [tilespmem:s16+$0xFFFFF840]  }
0x3d: {  	v1 =	vadd.f32 v48, v1  }
0x3e: {  	v49 =	vld [tilespmem:s16+$0xFFFFF850]  }
0x3f: {  	v1 =	vadd.f32 v3, v1  }
0x40: {  	v3 =	vld [tilespmem:s16+$0xFFFFF860]  }
0x41: {  	v1 =	vadd.f32 v2, v1  }
0x42: {  	v2 =	vld [tilespmem:s16+$0xFFFFF870]  }
0x43: {  	v1 =	vadd.f32 v49, v1  }
0x44: {  	v50 =	vld [tilespmem:s16+$0xFFFFFC00]  }
0x45: {  	v1 =	vadd.f32 v3, v1  }
0x46: {  	v3 =	vld [tilespmem:s16+$0xFFFFFC10]  }
0x47: {  	v1 =	vadd.f32 v2, v1  }
0x48: {  	v2 =	vld [tilespmem:s16+$0xFFFFFC20]  }
0x49: {  	v1 =	vadd.f32 v50, v1  }
0x4a: {  	v51 =	vld [tilespmem:s16+$0xFFFFFC30]  }
0x4b: {  	v1 =	vadd.f32 v3, v1  }
0x4c: {  	v3 =	vld [tilespmem:s16+$0xFFFFFC40]  }
0x4d: {  	v1 =	vadd.f32 v2, v1  }
0x4e: {  	v2 =	vld [tilespmem:s16+$0xFFFFFC50]  }
0x4f: {  	v1 =	vadd.f32 v51, v1  }
0x50: {  	v52 =	vld [tilespmem:s16+$0xFFFFFC60]  }
0x51: {  	v1 =	vadd.f32 v3, v1  }
0x52: {  	v3 =	vld [tilespmem:s16+$0xFFFFFC70]  }
0x53: {  	v1 =	vadd.f32 v2, v1  }
0x54: {  	v2 =	vld [tilespmem:s16+$0x0]  }
0x55: {  	v1 =	vadd.f32 v52, v1  }
0x56: {  	v53 =	vld [tilespmem:s16+$0x10]  }
0x57: {  	v1 =	vadd.f32 v3, v1  }
0x58: {  	v3 =	vld [tilespmem:s16+$0x20]  }
0x59: {  	v1 =	vadd.f32 v2, v1  }
0x5a: {  	v2 =	vld [tilespmem:s16+$0x30]  }
0x5b: {  	v1 =	vadd.f32 v53, v1  }
0x5c: {  	v54 =	vld [tilespmem:s16+$0x40]  }
0x5d: {  	v1 =	vadd.f32 v3, v1  }
0x5e: {  	v3 =	vld [tilespmem:s16+$0x50]  }
0x5f: {  	v1 =	vadd.f32 v2, v1  }
0x60: {  	v2 =	vld [tilespmem:s16+$0x60]  }
0x61: {  	v1 =	vadd.f32 v54, v1  }
0x62: {  	v55 =	vld [tilespmem:s16+$0x70]  }
0x63: {  	v1 =	vadd.f32 v3, v1  }
0x64: {  	v3 =	vld [tilespmem:s16+$0x400]  }
0x65: {  	v1 =	vadd.f32 v2, v1  }
0x66: {  	v2 =	vld [tilespmem:s16+$0x410]  }
0x67: {  	v1 =	vadd.f32 v55, v1  }
0x68: {  	v56 =	vld [tilespmem:s16+$0x420]  }
0x69: {  	v1 =	vadd.f32 v3, v1  }
0x6a: {  	v3 =	vld [tilespmem:s16+$0x430]  }
0x6b: {  	v1 =	vadd.f32 v2, v1  }
0x6c: {  	v2 =	vld [tilespmem:s16+$0x440]  }
0x6d: {  	v1 =	vadd.f32 v56, v1  }
0x6e: {  	v57 =	vld [tilespmem:s16+$0x450]  }
0x6f: {  	v1 =	vadd.f32 v3, v1  }
0x70: {  	v3 =	vld [tilespmem:s16+$0x460]  }
0x71: {  	v1 =	vadd.f32 v2, v1  }
0x72: {  	v2 =	vld [tilespmem:s16+$0x470]  }
0x73: {  	v58 =	vld [tilespmem:s18+$0x0];
	v1 =	vadd.f32 v57, v1  }
0x74: {  	v6 =	vld [tilespmem:s16+$0x800]  }
0x75: {  	v1 =	vadd.f32 v3, v1  }
0x76: {  	v3 =	vld [tilespmem:s16+$0x810]  }
0x77: {  	v1 =	vadd.f32 v2, v1  }
0x78: {  	(v2sf) =	vpush v58, $0x0;
	v2 =	vld [tilespmem:s16+$0x820]  }
0x79: {  	v1 =	vadd.f32 v6, v1  }
0x7a: {  	v59 =	vld [tilespmem:s16+$0x830]  }
0x7b: {  	v1 =	vadd.f32 v3, v1  }
0x7c: {  	v3 =	vld [tilespmem:s16+$0x840]  }
0x7d: {  	v1 =	vadd.f32 v2, v1  }
0x7e: {  	v2 =	vld [tilespmem:s16+$0x850]  }
0x7f: {  	v1 =	vadd.f32 v59, v1  }
0x80: {  	v60 =	vld [tilespmem:s16+$0x860]  }
0x81: {  	v1 =	vadd.f32 v3, v1  }
0x82: {  	v3 =	vld [tilespmem:s16+$0x870]  }
0x83: {  	v1 =	vadd.f32 v2, v1  }
0x84: {  	v2 =	vld [tilespmem:s16+$0xC00]  }
0x85: {  	v1 =	vadd.f32 v60, v1  }
0x86: {  	v61 =	vld [tilespmem:s16+$0xC10]  }
0x87: {  	s20 =	spop (v2sf);
	v1 =	vadd.f32 v3, v1  }
0x88: {  	s19 =	sand.u32 $0xF, s20;
	v3 =	vld [tilespmem:s16+$0xC20]  }
0x89: {  	s21 =	sshra.s32 s20, $0x1F;
	p0 =	slt.s32 s20, $0x1;
	p1 =	sne.s32 s19, $0x0;
	v1 =	vadd.f32 v2, v1  }
0x8a: {  	s31 =	sshrl.u32 s21, $0x1C;
	p0 =	por !p0, !p1;
	v2 =	vld [tilespmem:s16+$0xC30]  }
0x8b: {  	s21 =	simm.s32 $0x1;
	s19 =	sadd.s32 s31, s20;
	p0 =	por !p0, !p0;
	v1 =	vadd.f32 v61, v1  }
0x8c: {  	v62 =	vld [tilespmem:s16+$0xC40];
	s19 =	sshra.s32 s19, $0x4;
	s21 =	simm.s32 @!p0 $0x0  }
0x8d: {  	s19 =	ssub.s32 s19, s21;
	v1 =	vadd.f32 v3, v1  }
0x8e: {  	s21 =	sshll.u32 s19, $0x4;
	s19 =	sshll.u32 s19, $0x7;
	v3 =	vld [tilespmem:s16+$0xC50]  }
0x8f: {  	s22 =	sand.u32 $0x70, s21;
	s19 =	sand.u32 $0xFFFFFC00, s19;
	v1 =	vadd.f32 v2, v1;
	v2 =	vld [tilespmem:s16+$0xC58]  }
0x90: {  	s19 =	sor.u32 s19, s22  }
0x91: {  	s19 =	sor.u32 s15, s19;
	v1 =	vadd.f32 v62, v1  }
0x92: {  	v63 =	vld [tilespmem:s19+$0x280]  }
0x93: {  	v1 =	vadd.f32 v3, v1  }
0x94: {  	s20 =	ssub.s32 s20, s21;
	v2 =	vsel vm0, $0x0, v2  }
0x95: {  	v1 =	vadd.f32 v2, v1;
	v2 =	vmov s20  }
0x96: {  	vm1 =	veq.s32 v2, v0  }
0x97: {  	(xrf2) =	vadd.scan.msk.f32 $0xffff, v1;
	v1 =	vnsel vm1, $0x0, v63  }
0x98: {  	(xrf2) =	vadd.scan.msk.f32 $0xffff, v1;
	_ =	sdelay $0x8  }
0x99: {  	v2, _, _ =	vpop (xrf2)  }
0x9a: {  	v1, _, _ =	vpop (xrf2)  }
0x9b: {  	v3 =	vadd.f32 v1, v1;
	_ =	sdelay $0x1  }
0x9c: {  	v3 =	vbroadcast v3, $0xF;
	_ =	sdelay $0x1  }
0x9d: {  	v2 =	vbroadcast v2, $0xF;
	v3 =	vsub.f32 $1.000000000e+00, v3;
	_ =	sdelay $0x1  }
0x9e: {  	v3 =	vadd.f32 v3, v2;
	_ =	sdelay $0x1  }
0x9f: {  	(erf) = vrcp.f32 v3;
	_ =	sdelay $0x8  }
0xa0: {  	v3 =	vpop (erf)  }
0xa1: {  	v3 =	vmul.f32 $9.499999880e-01, v3;
	_ =	sdelay $0x1  }
0xa2: {  	v4 =	vmul.f32 v3, v4;
	_ =	sdelay $0x1  }
0xa3: {  	[tilespmem:s17+$0xFFFFF000] =	vst v4  }
0xa4: {  	v4 =	vld [tilespmem:s16+$0xFFFFF010];
	_ =	sdelay $0x4  }
0xa5: {  	v4 =	vmul.f32 v3, v4;
	_ =	sdelay $0x1  }
0xa6: {  	[tilespmem:s17+$0xFFFFF010] =	vst v4  }
0xa7: {  	v4 =	vld [tilespmem:s16+$0xFFFFF020];
	_ =	sdelay $0x4  }
0xa8: {  	v4 =	vmul.f32 v3, v4;
	_ =	sdelay $0x1  }
0xa9: {  	[tilespmem:s17+$0xFFFFF020] =	vst v4  }
0xaa: {  	v4 =	vld [tilespmem:s16+$0xFFFFF030];
	_ =	sdelay $0x4  }
0xab: {  	v4 =	vmul.f32 v3, v4;
	_ =	sdelay $0x1  }
0xac: {  	[tilespmem:s17+$0xFFFFF030] =	vst v4  }
0xad: {  	v4 =	vld [tilespmem:s16+$0xFFFFF040];
	_ =	sdelay $0x4  }
0xae: {  	v4 =	vmul.f32 v3, v4;
	_ =	sdelay $0x1  }
0xaf: {  	[tilespmem:s17+$0xFFFFF040] =	vst v4  }
0xb0: {  	v4 =	vld [tilespmem:s16+$0xFFFFF050];
	_ =	sdelay $0x4  }
0xb1: {  	v4 =	vmul.f32 v3, v4;
	_ =	sdelay $0x1  }
0xb2: {  	[tilespmem:s17+$0xFFFFF050] =	vst v4  }
0xb3: {  	v4 =	vld [tilespmem:s16+$0xFFFFF060];
	_ =	sdelay $0x4  }
0xb4: {  	v4 =	vmul.f32 v3, v4;
	_ =	sdelay $0x1  }
0xb5: {  	[tilespmem:s17+$0xFFFFF060] =	vst v4  }
0xb6: {  	v4 =	vld [tilespmem:s16+$0xFFFFF070];
	_ =	sdelay $0x4  }
0xb7: {  	v4 =	vmul.f32 v3, v4;
	_ =	sdelay $0x1  }
0xb8: {  	[tilespmem:s17+$0xFFFFF070] =	vst v4  }
0xb9: {  	v4 =	vld [tilespmem:s16+$0xFFFFF400];
	_ =	sdelay $0x4  }
0xba: {  	v4 =	vmul.f32 v3, v4;
	_ =	sdelay $0x1  }
0xbb: {  	[tilespmem:s17+$0xFFFFF400] =	vst v4  }
0xbc: {  	v4 =	vld [tilespmem:s16+$0xFFFFF410];
	_ =	sdelay $0x4  }
0xbd: {  	v4 =	vmul.f32 v3, v4;
	_ =	sdelay $0x1  }
0xbe: {  	[tilespmem:s17+$0xFFFFF410] =	vst v4  }
0xbf: {  	v4 =	vld [tilespmem:s16+$0xFFFFF420];
	_ =	sdelay $0x4  }
0xc0: {  	v4 =	vmul.f32 v4, v3;
	_ =	sdelay $0x1  }
0xc1: {  	[tilespmem:s17+$0xFFFFF420] =	vst v4  }
0xc2: {  	v4 =	vld [tilespmem:s16+$0xFFFFF430];
	_ =	sdelay $0x4  }
0xc3: {  	v4 =	vmul.f32 v4, v3;
	_ =	sdelay $0x1  }
0xc4: {  	[tilespmem:s17+$0xFFFFF430] =	vst v4  }
0xc5: {  	v4 =	vld [tilespmem:s16+$0xFFFFF440];
	_ =	sdelay $0x4  }
0xc6: {  	v4 =	vmul.f32 v4, v3;
	_ =	sdelay $0x1  }
0xc7: {  	[tilespmem:s17+$0xFFFFF440] =	vst v4  }
0xc8: {  	v4 =	vld [tilespmem:s16+$0xFFFFF450];
	_ =	sdelay $0x4  }
0xc9: {  	v4 =	vmul.f32 v4, v3;
	_ =	sdelay $0x1  }
0xca: {  	[tilespmem:s17+$0xFFFFF450] =	vst v4  }
0xcb: {  	v4 =	vld [tilespmem:s16+$0xFFFFF460];
	_ =	sdelay $0x4  }
0xcc: {  	v4 =	vmul.f32 v4, v3;
	_ =	sdelay $0x1  }
0xcd: {  	[tilespmem:s17+$0xFFFFF460] =	vst v4  }
0xce: {  	v4 =	vld [tilespmem:s16+$0xFFFFF470];
	_ =	sdelay $0x4  }
0xcf: {  	v4 =	vmul.f32 v4, v3;
	_ =	sdelay $0x1  }
0xd0: {  	[tilespmem:s17+$0xFFFFF470] =	vst v4  }
0xd1: {  	v4 =	vld [tilespmem:s16+$0xFFFFF800];
	_ =	sdelay $0x4  }
0xd2: {  	v4 =	vmul.f32 v4, v3;
	_ =	sdelay $0x1  }
0xd3: {  	[tilespmem:s17+$0xFFFFF800] =	vst v4  }
0xd4: {  	v4 =	vld [tilespmem:s16+$0xFFFFF810];
	_ =	sdelay $0x4  }
0xd5: {  	v4 =	vmul.f32 v4, v3;
	_ =	sdelay $0x1  }
0xd6: {  	[tilespmem:s17+$0xFFFFF810] =	vst v4  }
0xd7: {  	v4 =	vld [tilespmem:s16+$0xFFFFF820];
	_ =	sdelay $0x4  }
0xd8: {  	v4 =	vmul.f32 v4, v3;
	_ =	sdelay $0x1  }
0xd9: {  	[tilespmem:s17+$0xFFFFF820] =	vst v4  }
0xda: {  	v4 =	vld [tilespmem:s16+$0xFFFFF830];
	_ =	sdelay $0x4  }
0xdb: {  	v4 =	vmul.f32 v4, v3;
	_ =	sdelay $0x1  }
0xdc: {  	[tilespmem:s17+$0xFFFFF830] =	vst v4  }
0xdd: {  	v4 =	vld [tilespmem:s16+$0xFFFFF840];
	_ =	sdelay $0x4  }
0xde: {  	v4 =	vmul.f32 v4, v3;
	_ =	sdelay $0x1  }
0xdf: {  	[tilespmem:s17+$0xFFFFF840] =	vst v4  }
0xe0: {  	v4 =	vld [tilespmem:s16+$0xFFFFF850];
	_ =	sdelay $0x4  }
0xe1: {  	v4 =	vmul.f32 v4, v3;
	_ =	sdelay $0x1  }
0xe2: {  	[tilespmem:s17+$0xFFFFF850] =	vst v4  }
0xe3: {  	v4 =	vld [tilespmem:s16+$0xFFFFF860];
	_ =	sdelay $0x4  }
0xe4: {  	v4 =	vmul.f32 v4, v3;
	_ =	sdelay $0x1  }
0xe5: {  	[tilespmem:s17+$0xFFFFF860] =	vst v4  }
0xe6: {  	v4 =	vld [tilespmem:s16+$0xFFFFF870];
	_ =	sdelay $0x4  }
0xe7: {  	v4 =	vmul.f32 v4, v3;
	_ =	sdelay $0x1  }
0xe8: {  	[tilespmem:s17+$0xFFFFF870] =	vst v4  }
0xe9: {  	v4 =	vld [tilespmem:s16+$0xFFFFFC00];
	_ =	sdelay $0x4  }
0xea: {  	v4 =	vmul.f32 v4, v3;
	_ =	sdelay $0x1  }
0xeb: {  	[tilespmem:s17+$0xFFFFFC00] =	vst v4  }
0xec: {  	v4 =	vld [tilespmem:s16+$0xFFFFFC10];
	_ =	sdelay $0x4  }
0xed: {  	v4 =	vmul.f32 v4, v3;
	_ =	sdelay $0x1  }
0xee: {  	[tilespmem:s17+$0xFFFFFC10] =	vst v4  }
0xef: {  	v4 =	vld [tilespmem:s16+$0xFFFFFC20];
	_ =	sdelay $0x4  }
0xf0: {  	v4 =	vmul.f32 v4, v3;
	_ =	sdelay $0x1  }
0xf1: {  	[tilespmem:s17+$0xFFFFFC20] =	vst v4  }
0xf2: {  	v4 =	vld [tilespmem:s16+$0xFFFFFC30];
	_ =	sdelay $0x4  }
0xf3: {  	v4 =	vmul.f32 v4, v3;
	_ =	sdelay $0x1  }
0xf4: {  	[tilespmem:s17+$0xFFFFFC30] =	vst v4  }
0xf5: {  	v4 =	vld [tilespmem:s16+$0xFFFFFC40];
	_ =	sdelay $0x4  }
0xf6: {  	v4 =	vmul.f32 v4, v3;
	_ =	sdelay $0x1  }
0xf7: {  	[tilespmem:s17+$0xFFFFFC40] =	vst v4  }
0xf8: {  	v4 =	vld [tilespmem:s16+$0xFFFFFC50];
	_ =	sdelay $0x4  }
0xf9: {  	v4 =	vmul.f32 v4, v3;
	_ =	sdelay $0x1  }
0xfa: {  	[tilespmem:s17+$0xFFFFFC50] =	vst v4  }
0xfb: {  	v4 =	vld [tilespmem:s16+$0xFFFFFC60];
	_ =	sdelay $0x4  }
0xfc: {  	v4 =	vmul.f32 v4, v3;
	_ =	sdelay $0x1  }
0xfd: {  	[tilespmem:s17+$0xFFFFFC60] =	vst v4  }
0xfe: {  	v4 =	vld [tilespmem:s16+$0xFFFFFC70];
	_ =	sdelay $0x4  }
0xff: {  	v4 =	vmul.f32 v4, v3;
	_ =	sdelay $0x1  }
0x100: {  	[tilespmem:s17+$0xFFFFFC70] =	vst v4  }
0x101: {  	v4 =	vld [tilespmem:s16+$0x0];
	_ =	sdelay $0x4  }
0x102: {  	v4 =	vmul.f32 v4, v3;
	_ =	sdelay $0x1  }
0x103: {  	[tilespmem:s17+$0x0] =	vst v4  }
0x104: {  	v4 =	vld [tilespmem:s16+$0x10];
	_ =	sdelay $0x4  }
0x105: {  	v4 =	vmul.f32 v4, v3;
	_ =	sdelay $0x1  }
0x106: {  	[tilespmem:s17+$0x10] =	vst v4  }
0x107: {  	v4 =	vld [tilespmem:s16+$0x20];
	_ =	sdelay $0x4  }
0x108: {  	v4 =	vmul.f32 v4, v3;
	_ =	sdelay $0x1  }
0x109: {  	[tilespmem:s17+$0x20] =	vst v4  }
0x10a: {  	v4 =	vld [tilespmem:s16+$0x30];
	_ =	sdelay $0x4  }
0x10b: {  	v4 =	vmul.f32 v4, v3;
	_ =	sdelay $0x1  }
0x10c: {  	[tilespmem:s17+$0x30] =	vst v4  }
0x10d: {  	v4 =	vld [tilespmem:s16+$0x40];
	_ =	sdelay $0x4  }
0x10e: {  	v4 =	vmul.f32 v4, v3;
	_ =	sdelay $0x1  }
0x10f: {  	[tilespmem:s17+$0x40] =	vst v4  }
0x110: {  	v4 =	vld [tilespmem:s16+$0x50];
	_ =	sdelay $0x4  }
0x111: {  	v4 =	vmul.f32 v4, v3;
	_ =	sdelay $0x1  }
0x112: {  	[tilespmem:s17+$0x50] =	vst v4  }
0x113: {  	v4 =	vld [tilespmem:s16+$0x60];
	_ =	sdelay $0x4  }
0x114: {  	v4 =	vmul.f32 v4, v3;
	_ =	sdelay $0x1  }
0x115: {  	[tilespmem:s17+$0x60] =	vst v4  }
0x116: {  	v4 =	vld [tilespmem:s16+$0x70];
	_ =	sdelay $0x4  }
0x117: {  	v4 =	vmul.f32 v4, v3;
	_ =	sdelay $0x1  }
0x118: {  	[tilespmem:s17+$0x70] =	vst v4  }
0x119: {  	v4 =	vld [tilespmem:s16+$0x400];
	_ =	sdelay $0x4  }
0x11a: {  	v4 =	vmul.f32 v4, v3;
	_ =	sdelay $0x1  }
0x11b: {  	[tilespmem:s17+$0x400] =	vst v4  }
0x11c: {  	v4 =	vld [tilespmem:s16+$0x410];
	_ =	sdelay $0x4  }
0x11d: {  	v4 =	vmul.f32 v4, v3;
	_ =	sdelay $0x1  }
0x11e: {  	[tilespmem:s17+$0x410] =	vst v4  }
0x11f: {  	v4 =	vld [tilespmem:s16+$0x420];
	_ =	sdelay $0x4  }
0x120: {  	v4 =	vmul.f32 v4, v3;
	_ =	sdelay $0x1  }
0x121: {  	[tilespmem:s17+$0x420] =	vst v4  }
0x122: {  	v4 =	vld [tilespmem:s16+$0x430];
	_ =	sdelay $0x4  }
0x123: {  	v4 =	vmul.f32 v4, v3;
	_ =	sdelay $0x1  }
0x124: {  	[tilespmem:s17+$0x430] =	vst v4  }
0x125: {  	v4 =	vld [tilespmem:s16+$0x440];
	_ =	sdelay $0x4  }
0x126: {  	v4 =	vmul.f32 v4, v3;
	_ =	sdelay $0x1  }
0x127: {  	[tilespmem:s17+$0x440] =	vst v4  }
0x128: {  	v4 =	vld [tilespmem:s16+$0x450];
	_ =	sdelay $0x4  }
0x129: {  	v4 =	vmul.f32 v4, v3;
	_ =	sdelay $0x1  }
0x12a: {  	[tilespmem:s17+$0x450] =	vst v4  }
0x12b: {  	v4 =	vld [tilespmem:s16+$0x460];
	_ =	sdelay $0x4  }
0x12c: {  	v4 =	vmul.f32 v4, v3;
	_ =	sdelay $0x1  }
0x12d: {  	[tilespmem:s17+$0x460] =	vst v4  }
0x12e: {  	v4 =	vld [tilespmem:s16+$0x470];
	_ =	sdelay $0x4  }
0x12f: {  	v4 =	vmul.f32 v4, v3;
	_ =	sdelay $0x1  }
0x130: {  	[tilespmem:s17+$0x470] =	vst v4  }
0x131: {  	v4 =	vld [tilespmem:s16+$0x800];
	_ =	sdelay $0x4  }
0x132: {  	v4 =	vmul.f32 v4, v3;
	_ =	sdelay $0x1  }
0x133: {  	[tilespmem:s17+$0x800] =	vst v4  }
0x134: {  	v4 =	vld [tilespmem:s16+$0x810];
	_ =	sdelay $0x4  }
0x135: {  	v4 =	vmul.f32 v4, v3;
	_ =	sdelay $0x1  }
0x136: {  	[tilespmem:s17+$0x810] =	vst v4  }
0x137: {  	v4 =	vld [tilespmem:s16+$0x820];
	_ =	sdelay $0x4  }
0x138: {  	v4 =	vmul.f32 v4, v3;
	_ =	sdelay $0x1  }
0x139: {  	[tilespmem:s17+$0x820] =	vst v4  }
0x13a: {  	v4 =	vld [tilespmem:s16+$0x830];
	_ =	sdelay $0x4  }
0x13b: {  	v4 =	vmul.f32 v4, v3;
	_ =	sdelay $0x1  }
0x13c: {  	[tilespmem:s17+$0x830] =	vst v4  }
0x13d: {  	v4 =	vld [tilespmem:s16+$0x840];
	_ =	sdelay $0x4  }
0x13e: {  	v4 =	vmul.f32 v4, v3;
	_ =	sdelay $0x1  }
0x13f: {  	[tilespmem:s17+$0x840] =	vst v4  }
0x140: {  	v4 =	vld [tilespmem:s16+$0x850];
	_ =	sdelay $0x4  }
0x141: {  	v4 =	vmul.f32 v4, v3;
	_ =	sdelay $0x1  }
0x142: {  	[tilespmem:s17+$0x850] =	vst v4  }
0x143: {  	v4 =	vld [tilespmem:s16+$0x860];
	_ =	sdelay $0x4  }
0x144: {  	v4 =	vmul.f32 v4, v3;
	_ =	sdelay $0x1  }
0x145: {  	[tilespmem:s17+$0x860] =	vst v4  }
0x146: {  	v4 =	vld [tilespmem:s16+$0x870];
	_ =	sdelay $0x4  }
0x147: {  	v4 =	vmul.f32 v4, v3;
	_ =	sdelay $0x1  }
0x148: {  	[tilespmem:s17+$0x870] =	vst v4  }
0x149: {  	v4 =	vld [tilespmem:s16+$0xC00];
	_ =	sdelay $0x4  }
0x14a: {  	v4 =	vmul.f32 v4, v3;
	_ =	sdelay $0x1  }
0x14b: {  	[tilespmem:s17+$0xC00] =	vst v4  }
0x14c: {  	v4 =	vld [tilespmem:s16+$0xC10];
	_ =	sdelay $0x4  }
0x14d: {  	v4 =	vmul.f32 v4, v3;
	_ =	sdelay $0x1  }
0x14e: {  	[tilespmem:s17+$0xC10] =	vst v4  }
0x14f: {  	v4 =	vld [tilespmem:s16+$0xC20];
	_ =	sdelay $0x4  }
0x150: {  	v4 =	vmul.f32 v4, v3;
	_ =	sdelay $0x1  }
0x151: {  	[tilespmem:s17+$0xC20] =	vst v4  }
0x152: {  	v4 =	vld [tilespmem:s16+$0xC30];
	_ =	sdelay $0x4  }
0x153: {  	v4 =	vmul.f32 v4, v3;
	_ =	sdelay $0x1  }
0x154: {  	[tilespmem:s17+$0xC30] =	vst v4  }
0x155: {  	v4 =	vld [tilespmem:s16+$0xC40];
	_ =	sdelay $0x4  }
0x156: {  	v4 =	vmul.f32 v4, v3;
	_ =	sdelay $0x1  }
0x157: {  	[tilespmem:s17+$0xC40] =	vst v4  }
0x158: {  	v4 =	vld [tilespmem:s16+$0xC50];
	_ =	sdelay $0x4  }
0x159: {  	v4 =	vmul.f32 v4, v3;
	_ =	sdelay $0x1  }
0x15a: {  	[tilespmem:s17+$0xC50] =	vst v4  }
0x15b: {  	v4 =	vld [tilespmem:s16+$0xC58];
	_ =	sdelay $0x4  }
0x15c: {  	v4 =	vmul.f32 v4, v3;
	_ =	sdelay $0x1  }
0x15d: {  	v1 =	vbroadcast v1, $0xF;
	v2 =	vmul.f32 v3, v2;
	[tilespmem:s17+$0xC58] =	vst v4  }
0x15e: {  	v4 =	vld [tilespmem:s19+$0x4280]  }
0x15f: {  	p0 =	sne.s32 s15, $0x380;
	v1 =	vmul.f32 v3, v1;
	v2 =	vsub.f32 $1.000000000e+00, v2  }
.Ltmp0:
0x160: {  	_ = 	snop;
	(pc) =	sbr.rel @p0 .LBB2_3-.Ltmp0, $3  }
0x161: {  	v1 =	vadd.f32 v2, v1;
	_ =	sdelay $0x1  }
0x162: {  	s18 =	sadd.s32 $0x1, s18;
	v1 =	vsel vm1, v1, v4  }
0x163: {  	s15 =	sadd.s32 $0x80, s15;
	s16 =	sadd.s32 $0x80, s16;
	s17 =	sadd.s32 $0x80, s17;
	[tilespmem:s19+$0x4280] =	vst v1  }
0x164: {  	s13 =	sadd.s32 $0x1, s13  }
0x165: {  	p0 =	sne.s32 s13, $0x40  }
.Ltmp1:
0x166: {  	s14 =	sadd.s32 s4, s14;
	(pc) =	sbr.rel @p0 .LBB2_2-.Ltmp1, $4  }
0x167: {  	[hbm4b:s14+s2] =	stream.linear.scatter [tilespmem:s10], [sflag:$0x1], $0x2000, $0x38;
	[tilespmem:$0x8280] =	vst v63  }
0x168: {  	_ =	swait.ge [sflag:s7], $0x2000  }
0x169: {  	[sflag:s7] =	ssyncset.done $0x0  }
0x16a: {  	s12 =	sadd.s32 $0x8, s12;
	[sflag:s7] =	ssyncadd.s32 $0xFFFFE000  }
0x16b: {  	s11 =	sadd.s32 $0x1, s11  }
0x16c: {  	p0 =	sne.s32 s11, s6  }
.Ltmp2:
0x16d: {  	_ = 	snop;
	(pc) =	sbr.rel @p0 .LBB2_1-.Ltmp2, $1  }
0x16e: {  	_ =	sdelay $0x3  }
0x16f: {  	_ =	sfence.sel $0x180000  }
0x170: {  	[bflag:$0x0] =	sbarrier.arrive $0xFFFF  }
0x171: {  	p0 =	sne.s32 s1, $0x0;
	_ =	strace $0x90000047  }
0x172: {  	s0 =	sadd.s32 @!p0 $0x100000, s0;
	[bflag:$0x2] =	sbarrier.arrive $0xFFFF  }
0x173: {  	[sflag:s0] =	ssyncadd.tile.s32 @!p0 $0x1;
	_ =	shalt  }
.Lfunc_end2:
_tile_overlayer_lowered:
.L_overlay_start_2:
0x174: {  	(tag) =	ssettag $0x2  }
0x175: {  	s0 =	rddreg [dreg:$0x0];
	s2 =	stileid.u32  }
0x176: {  	s1 =	rddreg [dreg:$0x1];
	p0 =	sne.s32 s2, $0x0  }
0x177: {  	s3 =	rddreg [dreg:$0x2];
	[bflag:$0x3] =	sbarrier.arrive $0xFFFF;
	s2 =	simm.s32 @!p0 $0x1C01  }
0x178: {  	[timem:s3], [sflag:s2] =	dma.local @!p0 [hbm:s0], s1  }
0x179: {  	s0 =	simm.s32 @!p0 $0x1  }
0x17a: {  	_ =	swait.ge @!p0 [sflag:s0], s1  }
0x17b: {  	s1 =	ssub.s32 @!p0 $0x0, s1;
	[sflag:s0] =	ssyncset.done @!p0 $0x0  }
0x17c: {  	[sflag:s0] =	ssyncadd.s32 @!p0 s1  }
0x17d: {  	[bflag:$0x3] =	sbarrier.arrive $0xFFFF  }
0x17e: {  	_ =	shalt  }

</sc_bundles>
